<compile_context>
chip_gen: v7x
topology: tpu7x:2x2x1
jax: 0.10.2.dev20260603
libtpu: 0.0.44.dev20260713+nightly
codegen_flags: <defaults>
</compile_context>

<pallas_src>
import functools

import jax
import jax.numpy as jnp
from jax import lax
from jax.experimental import pallas as pl
from jax.experimental.pallas import tpu as pltpu
from jax.experimental.pallas import tpu_sc as plsc

_N_E = 8192
_E_DIM = 256
_BETA = 0.25
_TB = 512
_NT = _N_E // _TB


def _dist_argmin_body(z_ref, w_ref, sz_ref, sw_ref,
                      idx_ref, loss_ref, loss_acc):
    i = pl.program_id(0)

    @pl.when(i == 0)
    def _init():
        loss_acc[0, 0] = jnp.float32(0.0)

    zb = z_ref[...]
    zb2 = zb + zb
    dot2 = lax.dot_general(zb2, w_ref[...], (((1,), (0,)), ((), ())),
                           preferred_element_type=jnp.float32)
    d = (sz_ref[...] + sw_ref[...]) - dot2
    rmin = jnp.min(d, axis=1, keepdims=True)
    ci = lax.broadcasted_iota(jnp.int32, (_TB, _N_E), 1)
    ridx = jnp.min(jnp.where(d == rmin, ci, jnp.int32(_N_E)),
                   axis=1, keepdims=True)

    idx_ref[...] = ridx
    loss_acc[0, 0] += jnp.sum(rmin)

    @pl.when(i == _NT - 1)
    def _fini():
        loss_ref[...] = jnp.full((1, 1), loss_acc[0, 0], jnp.float32)


def _dist_argmin(z_flat, wt, sz, sw):
    return pl.pallas_call(
        _dist_argmin_body,
        grid=(_NT,),
        in_specs=[
            pl.BlockSpec((_TB, _E_DIM), lambda i: (i, 0)),
            pl.BlockSpec((_E_DIM, _N_E), lambda i: (0, 0)),
            pl.BlockSpec((_TB, 1), lambda i: (i, 0)),
            pl.BlockSpec((1, _N_E), lambda i: (0, 0)),
        ],
        out_specs=[
            pl.BlockSpec((_TB, 1), lambda i: (i, 0)),
            pl.BlockSpec((1, 1), lambda i: (0, 0)),
        ],
        out_shape=[
            jax.ShapeDtypeStruct((_N_E, 1), jnp.int32),
            jax.ShapeDtypeStruct((1, 1), jnp.float32),
        ],
        scratch_shapes=[
            pltpu.SMEM((1, 1), jnp.float32),
        ],
    )(z_flat, wt, sz, sw)



_SC_INFO = plsc.get_sparse_core_info()
_NC = _SC_INFO.num_cores
_NS = _SC_INFO.num_subcores
_NW = _NC * _NS
_BPW = _N_E // _NW
_CH = 128
_PC = _N_E // _NS
_L = 16


def _sc_gather_body(table_hbm, idx_hbm, out_hbm, pres_hbm,
                    idx_a, idx_b, rows_v, idx_w, ones_v, zeros_v,
                    shared_pres, sem, sem2):
    cid = lax.axis_index("c")
    sid = lax.axis_index("s")
    wid = sid * _NC + cid
    base = wid * _BPW
    pltpu.sync_copy(idx_hbm.at[pl.ds(base, _CH)], idx_a)
    pltpu.sync_copy(idx_hbm.at[pl.ds(base + _CH, _CH)], idx_b)
    cp1 = pltpu.async_copy(table_hbm.at[idx_a], rows_v.at[pl.ds(0, _CH)], sem)
    cp2 = pltpu.async_copy(table_hbm.at[idx_b], rows_v.at[pl.ds(_CH, _CH)], sem)

    @pl.when(cid == 0)
    def _prep():
        for k in range(_PC // _L):
            zeros_v[pl.ds(k * _L, _L)] = jnp.zeros((_L,), jnp.int32)
        pltpu.sync_copy(zeros_v, shared_pres.at[pl.ds(sid * _PC, _PC)])
        for r in range(4):
            pltpu.sync_copy(idx_hbm.at[pl.ds(sid * _PC + r * _CH, _CH)],
                            idx_w.at[r])
        for k in range(_CH // _L):
            ones_v[pl.ds(k * _L, _L)] = jnp.ones((_L,), jnp.int32)

    plsc.subcore_barrier()

    @pl.when(cid == 0)
    def _scatter():
        cps = [pltpu.async_copy(ones_v, shared_pres.at[idx_w.at[r]], sem2,
                                add=True) for r in range(4)]
        for cp in cps:
            cp.wait()

    plsc.subcore_barrier()

    @pl.when(cid == 0)
    def _dump():
        pltpu.sync_copy(shared_pres.at[pl.ds(sid * _PC, _PC)],
                        pres_hbm.at[pl.ds(sid * _PC, _PC)])

    cp1.wait()
    cp2.wait()
    pltpu.sync_copy(rows_v, out_hbm.at[pl.ds(base, _BPW)])


_sc_gather = functools.partial(
    pl.kernel,
    mesh=plsc.VectorSubcoreMesh(core_axis_name="c", subcore_axis_name="s"),
    out_type=[
        jax.ShapeDtypeStruct((_N_E, _E_DIM), jnp.float32),
        jax.ShapeDtypeStruct((_N_E,), jnp.int32),
    ],
    scratch_types=[
        pltpu.VMEM((_CH,), jnp.int32),
        pltpu.VMEM((_CH,), jnp.int32),
        pltpu.VMEM((_BPW, _E_DIM), jnp.float32),
        pltpu.VMEM((4, _CH), jnp.int32),
        pltpu.VMEM((_CH,), jnp.int32),
        pltpu.VMEM((_PC,), jnp.int32),
        pltpu.VMEM_SHARED((_N_E,), jnp.int32),
        pltpu.SemaphoreType.DMA,
        pltpu.SemaphoreType.DMA,
    ],
)(_sc_gather_body)



def _uniq_body(pres_ref, uniq_ref):
    uniq_ref[...] = jnp.sum(jnp.minimum(pres_ref[...], 1), keepdims=True)


def _uniq_count(pres2d):
    return pl.pallas_call(
        _uniq_body,
        out_shape=jax.ShapeDtypeStruct((1, 1), jnp.int32),
    )(pres2d)


def kernel(z, W):
    zp = jnp.transpose(z, (0, 2, 3, 4, 1))
    z_flat = zp.reshape(-1, _E_DIM)
    sz = jnp.sum(z_flat ** 2, axis=1, keepdims=True)
    sw = jnp.sum(W ** 2, axis=1)
    idx2, loss_sum = _dist_argmin(z_flat, W.T, sz, sw.reshape(1, _N_E))
    idx = idx2.reshape(_N_E)

    zq_rows, pres = _sc_gather(W, idx)
    zq = zq_rows.reshape(zp.shape)
    uniq = _uniq_count(pres.reshape(1, _N_E))

    n_elems = z_flat.shape[0] * _E_DIM
    loss = (_BETA * (loss_sum[0, 0] / n_elems)) + (loss_sum[0, 0] / n_elems)
    z_q = zp + (zq - zp)
    z_q = jnp.transpose(z_q, (0, 4, 1, 2, 3))
    return (z_q, loss, uniq[0, 0], idx)

# --- scband reference (transcript-rebuilt; emitter-appended) ---
"""Pipeline reference for scband-vector-quantizer2-32074815767040 (READ-ONLY COPY).

The authoritative reference and input builder live on the scoring server;
editing this copy changes nothing except your own understanding.
"""

import jax, jax.numpy as jnp
import numpy as np

N_E = 8192
E_DIM = 256
BETA = 0.25


def setup_inputs(seed: int = 0) -> dict:
    key = jax.random.key(seed)
    k1, k2 = jax.random.split(key)
    z = jax.random.normal(k1, (2, 256, 4, 32, 32), dtype=jnp.float32)
    # embedding weight initialized uniform(-1/n_e, 1/n_e) as in the torch module
    W = jax.random.uniform(k2, (N_E, E_DIM), minval=-1.0 / N_E, maxval=1.0 / N_E, dtype=jnp.float32)
    return {"z": z, "W": W}


def reference(z, W):
    # rearrange 'b c l h w -> b l h w c'
    zp = jnp.transpose(z, (0, 2, 3, 4, 1))
    z_flat = zp.reshape(-1, E_DIM)
    # squared L2 distances to every codebook entry
    d = (jnp.sum(z_flat ** 2, axis=1, keepdims=True)
         + jnp.sum(W ** 2, axis=1)
         - 2.0 * jnp.einsum('bd,dn->bn', z_flat, W.T))
    min_encoding_indices = jnp.argmin(d, axis=1)
    z_q = jnp.take(W, min_encoding_indices, axis=0).reshape(zp.shape)
    # legacy=False branch of the commitment loss
    loss = (BETA * jnp.mean((jax.lax.stop_gradient(z_q) - zp) ** 2)
            + jnp.mean((z_q - jax.lax.stop_gradient(zp)) ** 2))
    # straight-through estimator
    z_q = zp + jax.lax.stop_gradient(z_q - zp)
    # rearrange 'b l h w c -> b c l h w'
    z_q = jnp.transpose(z_q, (0, 4, 1, 2, 3))
    # number of unique codes used (jit-friendly via bincount)
    unique = jnp.sum(jnp.bincount(min_encoding_indices, length=N_E) > 0)
    return (z_q, loss, unique, min_encoding_indices)

if __name__ == "__main__":
    import jax
    _d = setup_inputs()
    print(jax.jit(kernel)(*tuple(_d.values())))

</pallas_src>

<mosaic_0001>
#map = affine_map<(d0, d1) -> (0, 0)>
#map1 = affine_map<(d0, d1) -> (0)>
module attributes {stable_mosaic.version = 14 : i64} {
  func.func @_sc_gather_body(%arg0: i32, %arg1: i32, %arg2: memref<8192x256xf32, #tpu.memory_space<hbm>>, %arg3: memref<8192xi32, #tpu.memory_space<hbm>>, %arg4: memref<8192x256xf32, #tpu.memory_space<hbm>>, %arg5: memref<8192xi32, #tpu.memory_space<hbm>>, %arg6: memref<128xi32, #tpu.memory_space<vmem>>, %arg7: memref<128xi32, #tpu.memory_space<vmem>>, %arg8: memref<256x256xf32, #tpu.memory_space<vmem>>, %arg9: memref<4x128xi32, #tpu.memory_space<vmem>>, %arg10: memref<128xi32, #tpu.memory_space<vmem>>, %arg11: memref<512xi32, #tpu.memory_space<vmem>>, %arg12: memref<8192xi32, #tpu.memory_space<vmem_shared>>, %arg13: memref<!tpu.dma_semaphore, #tpu.memory_space<semaphore_mem>>, %arg14: memref<!tpu.dma_semaphore, #tpu.memory_space<semaphore_mem>>) attributes {dimension_semantics = [#tpu.dimension_semantics<core_parallel>, #tpu.dimension_semantics<subcore_parallel>], iteration_bounds = array<i64: 2, 16>, scalar_prefetch = 0 : i64, scratch_operands = 9 : i64, tpu.core_type = #tpu.core_type<sc_vector_subcore>, window_params = [{transform_indices = #map}, {transform_indices = #map1}, {transform_indices = #map}, {transform_indices = #map1}]} {
    %mul3A = arith.constant 2 : i32
    %mul3A_0 = arith.muli %arg1, %mul3A : i32
    %add3A = arith.addi %mul3A_0, %arg0 : i32
    %mul3A_1 = arith.constant 256 : i32
    %mul3A_2 = arith.muli %add3A, %mul3A_1 : i32
    "tpu.region"() ({
      %run_scoped3A = tpu.sem_alloc : memref<!tpu.dma_semaphore, #tpu.memory_space<semaphore_mem>>
      %dma_start3A_40 = tpu.memref_slice %arg3[%mul3A_2] : memref<8192xi32, #tpu.memory_space<hbm>> -> memref<128xi32, #tpu.memory_space<hbm>>
      %dma_start3A_41 = tpu.memref_slice %arg3[%mul3A_2] : memref<8192xi32, #tpu.memory_space<hbm>> -> memref<128xi32, #tpu.memory_space<hbm>>
      tpu.enqueue_dma source(%dma_start3A_41 : memref<128xi32, #tpu.memory_space<hbm>>) target(%arg6 : memref<128xi32, #tpu.memory_space<vmem>>) target_semaphore(%run_scoped3A : memref<!tpu.dma_semaphore, #tpu.memory_space<semaphore_mem>>)
      %dma_wait3A_42 = tpu.memref_slice %arg3[%mul3A_2] : memref<8192xi32, #tpu.memory_space<hbm>> -> memref<128xi32, #tpu.memory_space<hbm>>
      %dma_wait3A_43 = tpu.memref_slice %arg3[%mul3A_2] : memref<8192xi32, #tpu.memory_space<hbm>> -> memref<128xi32, #tpu.memory_space<hbm>>
      tpu.wait_dma2 semaphore(%run_scoped3A : memref<!tpu.dma_semaphore, #tpu.memory_space<semaphore_mem>>) src(%dma_wait3A_43 : memref<128xi32, #tpu.memory_space<hbm>>) dst(%arg6 : memref<128xi32, #tpu.memory_space<vmem>>)
      tpu.yield
    }) : () -> ()
    %add3A_3 = arith.constant 128 : i32
    %add3A_4 = arith.addi %mul3A_2, %add3A_3 : i32
    "tpu.region"() ({
      %run_scoped3A = tpu.sem_alloc : memref<!tpu.dma_semaphore, #tpu.memory_space<semaphore_mem>>
      %dma_start3A_40 = tpu.memref_slice %arg3[%add3A_4] : memref<8192xi32, #tpu.memory_space<hbm>> -> memref<128xi32, #tpu.memory_space<hbm>>
      %dma_start3A_41 = tpu.memref_slice %arg3[%add3A_4] : memref<8192xi32, #tpu.memory_space<hbm>> -> memref<128xi32, #tpu.memory_space<hbm>>
      tpu.enqueue_dma source(%dma_start3A_41 : memref<128xi32, #tpu.memory_space<hbm>>) target(%arg7 : memref<128xi32, #tpu.memory_space<vmem>>) target_semaphore(%run_scoped3A : memref<!tpu.dma_semaphore, #tpu.memory_space<semaphore_mem>>)
      %dma_wait3A_42 = tpu.memref_slice %arg3[%add3A_4] : memref<8192xi32, #tpu.memory_space<hbm>> -> memref<128xi32, #tpu.memory_space<hbm>>
      %dma_wait3A_43 = tpu.memref_slice %arg3[%add3A_4] : memref<8192xi32, #tpu.memory_space<hbm>> -> memref<128xi32, #tpu.memory_space<hbm>>
      tpu.wait_dma2 semaphore(%run_scoped3A : memref<!tpu.dma_semaphore, #tpu.memory_space<semaphore_mem>>) src(%dma_wait3A_43 : memref<128xi32, #tpu.memory_space<hbm>>) dst(%arg7 : memref<128xi32, #tpu.memory_space<vmem>>)
      tpu.yield
    }) : () -> ()
    %dma_start3A = arith.constant 0 : i32
    %dma_start3A_5 = arith.constant 0 : i32
    %dma_start3A_6 = tpu.memref_slice %arg8[%dma_start3A, %dma_start3A_5] : memref<256x256xf32, #tpu.memory_space<vmem>> -> memref<128x256xf32, #tpu.memory_space<vmem>>
    %dma_start3A_7 = arith.constant 0 : i32
    %dma_start3A_8 = arith.constant 0 : i32
    %dma_start3A_9 = tpu.memref_slice %arg2[%dma_start3A_7, %dma_start3A_8] : memref<8192x256xf32, #tpu.memory_space<hbm>> -> memref<8192x256xf32, #tpu.memory_space<hbm>>
    tpu.enqueue_indirect_dma source(%dma_start3A_9 : memref<8192x256xf32, #tpu.memory_space<hbm>>) target(%dma_start3A_6 : memref<128x256xf32, #tpu.memory_space<vmem>>) offsets(%arg6 : memref<128xi32, #tpu.memory_space<vmem>>) semaphore(%arg13 : memref<!tpu.dma_semaphore, #tpu.memory_space<semaphore_mem>>)
    %dma_start3A_10 = arith.constant 128 : i32
    %dma_start3A_11 = arith.constant 0 : i32
    %dma_start3A_12 = tpu.memref_slice %arg8[%dma_start3A_10, %dma_start3A_11] : memref<256x256xf32, #tpu.memory_space<vmem>> -> memref<128x256xf32, #tpu.memory_space<vmem>>
    %dma_start3A_13 = arith.constant 0 : i32
    %dma_start3A_14 = arith.constant 0 : i32
    %dma_start3A_15 = tpu.memref_slice %arg2[%dma_start3A_13, %dma_start3A_14] : memref<8192x256xf32, #tpu.memory_space<hbm>> -> memref<8192x256xf32, #tpu.memory_space<hbm>>
    tpu.enqueue_indirect_dma source(%dma_start3A_15 : memref<8192x256xf32, #tpu.memory_space<hbm>>) target(%dma_start3A_12 : memref<128x256xf32, #tpu.memory_space<vmem>>) offsets(%arg7 : memref<128xi32, #tpu.memory_space<vmem>>) semaphore(%arg13 : memref<!tpu.dma_semaphore, #tpu.memory_space<semaphore_mem>>)
    %eq3A = arith.constant 0 : i32
    %eq3A_16 = arith.cmpi eq, %arg0, %eq3A : i32
    %convert_element_type3A = arith.extui %eq3A_16 : i1 to i32
    %cond3A = arith.constant 0 : i32
    %cond3A_17 = arith.cmpi ne, %convert_element_type3A, %cond3A : i32
    scf.if %cond3A_17 {
      %broadcast_in_dim3A = arith.constant 0 : i32
      %broadcast_in_dim3A_40 = vector.broadcast %broadcast_in_dim3A : i32 to vector<16xi32>
      %swap3A = arith.constant 0 : index
      %swap3A_41 = tpu.vector_load %arg11[%swap3A] {strides = array<i32>} : memref<512xi32, #tpu.memory_space<vmem>>, vector<16xi32>,
      %swap3A_42 = vector.shape_cast %swap3A_41 : vector<16xi32> to vector<16xi32>
      %swap3A_43 = vector.shape_cast %broadcast_in_dim3A_40 : vector<16xi32> to vector<16xi32>
      tpu.vector_store %arg11[%swap3A], %swap3A_43 {strides = array<i32>} : memref<512xi32, #tpu.memory_space<vmem>>, vector<16xi32>,
      %broadcast_in_dim3A_44 = arith.constant 0 : i32
      %broadcast_in_dim3A_45 = vector.broadcast %broadcast_in_dim3A_44 : i32 to vector<16xi32>
      %swap3A_46 = arith.constant 16 : index
      %swap3A_47 = tpu.vector_load %arg11[%swap3A_46] {strides = array<i32>} : memref<512xi32, #tpu.memory_space<vmem>>, vector<16xi32>,
      %swap3A_48 = vector.shape_cast %swap3A_47 : vector<16xi32> to vector<16xi32>
      %swap3A_49 = vector.shape_cast %broadcast_in_dim3A_45 : vector<16xi32> to vector<16xi32>
      tpu.vector_store %arg11[%swap3A_46], %swap3A_49 {strides = array<i32>} : memref<512xi32, #tpu.memory_space<vmem>>, vector<16xi32>,
      %broadcast_in_dim3A_50 = arith.constant 0 : i32
      %broadcast_in_dim3A_51 = vector.broadcast %broadcast_in_dim3A_50 : i32 to vector<16xi32>
      %swap3A_52 = arith.constant 32 : index
      %swap3A_53 = tpu.vector_load %arg11[%swap3A_52] {strides = array<i32>} : memref<512xi32, #tpu.memory_space<vmem>>, vector<16xi32>,
      %swap3A_54 = vector.shape_cast %swap3A_53 : vector<16xi32> to vector<16xi32>
      %swap3A_55 = vector.shape_cast %broadcast_in_dim3A_51 : vector<16xi32> to vector<16xi32>
      tpu.vector_store %arg11[%swap3A_52], %swap3A_55 {strides = array<i32>} : memref<512xi32, #tpu.memory_space<vmem>>, vector<16xi32>,
      %broadcast_in_dim3A_56 = arith.constant 0 : i32
      %broadcast_in_dim3A_57 = vector.broadcast %broadcast_in_dim3A_56 : i32 to vector<16xi32>
      %swap3A_58 = arith.constant 48 : index
      %swap3A_59 = tpu.vector_load %arg11[%swap3A_58] {strides = array<i32>} : memref<512xi32, #tpu.memory_space<vmem>>, vector<16xi32>,
      %swap3A_60 = vector.shape_cast %swap3A_59 : vector<16xi32> to vector<16xi32>
      %swap3A_61 = vector.shape_cast %broadcast_in_dim3A_57 : vector<16xi32> to vector<16xi32>
      tpu.vector_store %arg11[%swap3A_58], %swap3A_61 {strides = array<i32>} : memref<512xi32, #tpu.memory_space<vmem>>, vector<16xi32>,
      %broadcast_in_dim3A_62 = arith.constant 0 : i32
      %broadcast_in_dim3A_63 = vector.broadcast %broadcast_in_dim3A_62 : i32 to vector<16xi32>
      %swap3A_64 = arith.constant 64 : index
      %swap3A_65 = tpu.vector_load %arg11[%swap3A_64] {strides = array<i32>} : memref<512xi32, #tpu.memory_space<vmem>>, vector<16xi32>,
      %swap3A_66 = vector.shape_cast %swap3A_65 : vector<16xi32> to vector<16xi32>
      %swap3A_67 = vector.shape_cast %broadcast_in_dim3A_63 : vector<16xi32> to vector<16xi32>
      tpu.vector_store %arg11[%swap3A_64], %swap3A_67 {strides = array<i32>} : memref<512xi32, #tpu.memory_space<vmem>>, vector<16xi32>,
      %broadcast_in_dim3A_68 = arith.constant 0 : i32
      %broadcast_in_dim3A_69 = vector.broadcast %broadcast_in_dim3A_68 : i32 to vector<16xi32>
      %swap3A_70 = arith.constant 80 : index
      %swap3A_71 = tpu.vector_load %arg11[%swap3A_70] {strides = array<i32>} : memref<512xi32, #tpu.memory_space<vmem>>, vector<16xi32>,
      %swap3A_72 = vector.shape_cast %swap3A_71 : vector<16xi32> to vector<16xi32>
      %swap3A_73 = vector.shape_cast %broadcast_in_dim3A_69 : vector<16xi32> to vector<16xi32>
      tpu.vector_store %arg11[%swap3A_70], %swap3A_73 {strides = array<i32>} : memref<512xi32, #tpu.memory_space<vmem>>, vector<16xi32>,
      %broadcast_in_dim3A_74 = arith.constant 0 : i32
      %broadcast_in_dim3A_75 = vector.broadcast %broadcast_in_dim3A_74 : i32 to vector<16xi32>
      %swap3A_76 = arith.constant 96 : index
      %swap3A_77 = tpu.vector_load %arg11[%swap3A_76] {strides = array<i32>} : memref<512xi32, #tpu.memory_space<vmem>>, vector<16xi32>,
      %swap3A_78 = vector.shape_cast %swap3A_77 : vector<16xi32> to vector<16xi32>
      %swap3A_79 = vector.shape_cast %broadcast_in_dim3A_75 : vector<16xi32> to vector<16xi32>
      tpu.vector_store %arg11[%swap3A_76], %swap3A_79 {strides = array<i32>} : memref<512xi32, #tpu.memory_space<vmem>>, vector<16xi32>,
      %broadcast_in_dim3A_80 = arith.constant 0 : i32
      %broadcast_in_dim3A_81 = vector.broadcast %broadcast_in_dim3A_80 : i32 to vector<16xi32>
      %swap3A_82 = arith.constant 112 : index
      %swap3A_83 = tpu.vector_load %arg11[%swap3A_82] {strides = array<i32>} : memref<512xi32, #tpu.memory_space<vmem>>, vector<16xi32>,
      %swap3A_84 = vector.shape_cast %swap3A_83 : vector<16xi32> to vector<16xi32>
      %swap3A_85 = vector.shape_cast %broadcast_in_dim3A_81 : vector<16xi32> to vector<16xi32>
      tpu.vector_store %arg11[%swap3A_82], %swap3A_85 {strides = array<i32>} : memref<512xi32, #tpu.memory_space<vmem>>, vector<16xi32>,
      %broadcast_in_dim3A_86 = arith.constant 0 : i32
      %broadcast_in_dim3A_87 = vector.broadcast %broadcast_in_dim3A_86 : i32 to vector<16xi32>
      %swap3A_88 = arith.constant 128 : index
      %swap3A_89 = tpu.vector_load %arg11[%swap3A_88] {strides = array<i32>} : memref<512xi32, #tpu.memory_space<vmem>>, vector<16xi32>,
      %swap3A_90 = vector.shape_cast %swap3A_89 : vector<16xi32> to vector<16xi32>
      %swap3A_91 = vector.shape_cast %broadcast_in_dim3A_87 : vector<16xi32> to vector<16xi32>
      tpu.vector_store %arg11[%swap3A_88], %swap3A_91 {strides = array<i32>} : memref<512xi32, #tpu.memory_space<vmem>>, vector<16xi32>,
      %broadcast_in_dim3A_92 = arith.constant 0 : i32
      %broadcast_in_dim3A_93 = vector.broadcast %broadcast_in_dim3A_92 : i32 to vector<16xi32>
      %swap3A_94 = arith.constant 144 : index
      %swap3A_95 = tpu.vector_load %arg11[%swap3A_94] {strides = array<i32>} : memref<512xi32, #tpu.memory_space<vmem>>, vector<16xi32>,
      %swap3A_96 = vector.shape_cast %swap3A_95 : vector<16xi32> to vector<16xi32>
      %swap3A_97 = vector.shape_cast %broadcast_in_dim3A_93 : vector<16xi32> to vector<16xi32>
      tpu.vector_store %arg11[%swap3A_94], %swap3A_97 {strides = array<i32>} : memref<512xi32, #tpu.memory_space<vmem>>, vector<16xi32>,
      %broadcast_in_dim3A_98 = arith.constant 0 : i32
      %broadcast_in_dim3A_99 = vector.broadcast %broadcast_in_dim3A_98 : i32 to vector<16xi32>
      %swap3A_100 = arith.constant 160 : index
      %swap3A_101 = tpu.vector_load %arg11[%swap3A_100] {strides = array<i32>} : memref<512xi32, #tpu.memory_space<vmem>>, vector<16xi32>,
      %swap3A_102 = vector.shape_cast %swap3A_101 : vector<16xi32> to vector<16xi32>
      %swap3A_103 = vector.shape_cast %broadcast_in_dim3A_99 : vector<16xi32> to vector<16xi32>
      tpu.vector_store %arg11[%swap3A_100], %swap3A_103 {strides = array<i32>} : memref<512xi32, #tpu.memory_space<vmem>>, vector<16xi32>,
      %broadcast_in_dim3A_104 = arith.constant 0 : i32
      %broadcast_in_dim3A_105 = vector.broadcast %broadcast_in_dim3A_104 : i32 to vector<16xi32>
      %swap3A_106 = arith.constant 176 : index
      %swap3A_107 = tpu.vector_load %arg11[%swap3A_106] {strides = array<i32>} : memref<512xi32, #tpu.memory_space<vmem>>, vector<16xi32>,
      %swap3A_108 = vector.shape_cast %swap3A_107 : vector<16xi32> to vector<16xi32>
      %swap3A_109 = vector.shape_cast %broadcast_in_dim3A_105 : vector<16xi32> to vector<16xi32>
      tpu.vector_store %arg11[%swap3A_106], %swap3A_109 {strides = array<i32>} : memref<512xi32, #tpu.memory_space<vmem>>, vector<16xi32>,
      %broadcast_in_dim3A_110 = arith.constant 0 : i32
      %broadcast_in_dim3A_111 = vector.broadcast %broadcast_in_dim3A_110 : i32 to vector<16xi32>
      %swap3A_112 = arith.constant 192 : index
      %swap3A_113 = tpu.vector_load %arg11[%swap3A_112] {strides = array<i32>} : memref<512xi32, #tpu.memory_space<vmem>>, vector<16xi32>,
      %swap3A_114 = vector.shape_cast %swap3A_113 : vector<16xi32> to vector<16xi32>
      %swap3A_115 = vector.shape_cast %broadcast_in_dim3A_111 : vector<16xi32> to vector<16xi32>
      tpu.vector_store %arg11[%swap3A_112], %swap3A_115 {strides = array<i32>} : memref<512xi32, #tpu.memory_space<vmem>>, vector<16xi32>,
      %broadcast_in_dim3A_116 = arith.constant 0 : i32
      %broadcast_in_dim3A_117 = vector.broadcast %broadcast_in_dim3A_116 : i32 to vector<16xi32>
      %swap3A_118 = arith.constant 208 : index
      %swap3A_119 = tpu.vector_load %arg11[%swap3A_118] {strides = array<i32>} : memref<512xi32, #tpu.memory_space<vmem>>, vector<16xi32>,
      %swap3A_120 = vector.shape_cast %swap3A_119 : vector<16xi32> to vector<16xi32>
      %swap3A_121 = vector.shape_cast %broadcast_in_dim3A_117 : vector<16xi32> to vector<16xi32>
      tpu.vector_store %arg11[%swap3A_118], %swap3A_121 {strides = array<i32>} : memref<512xi32, #tpu.memory_space<vmem>>, vector<16xi32>,
      %broadcast_in_dim3A_122 = arith.constant 0 : i32
      %broadcast_in_dim3A_123 = vector.broadcast %broadcast_in_dim3A_122 : i32 to vector<16xi32>
      %swap3A_124 = arith.constant 224 : index
      %swap3A_125 = tpu.vector_load %arg11[%swap3A_124] {strides = array<i32>} : memref<512xi32, #tpu.memory_space<vmem>>, vector<16xi32>,
      %swap3A_126 = vector.shape_cast %swap3A_125 : vector<16xi32> to vector<16xi32>
      %swap3A_127 = vector.shape_cast %broadcast_in_dim3A_123 : vector<16xi32> to vector<16xi32>
      tpu.vector_store %arg11[%swap3A_124], %swap3A_127 {strides = array<i32>} : memref<512xi32, #tpu.memory_space<vmem>>, vector<16xi32>,
      %broadcast_in_dim3A_128 = arith.constant 0 : i32
      %broadcast_in_dim3A_129 = vector.broadcast %broadcast_in_dim3A_128 : i32 to vector<16xi32>
      %swap3A_130 = arith.constant 240 : index
      %swap3A_131 = tpu.vector_load %arg11[%swap3A_130] {strides = array<i32>} : memref<512xi32, #tpu.memory_space<vmem>>, vector<16xi32>,
      %swap3A_132 = vector.shape_cast %swap3A_131 : vector<16xi32> to vector<16xi32>
      %swap3A_133 = vector.shape_cast %broadcast_in_dim3A_129 : vector<16xi32> to vector<16xi32>
      tpu.vector_store %arg11[%swap3A_130], %swap3A_133 {strides = array<i32>} : memref<512xi32, #tpu.memory_space<vmem>>, vector<16xi32>,
      %broadcast_in_dim3A_134 = arith.constant 0 : i32
      %broadcast_in_dim3A_135 = vector.broadcast %broadcast_in_dim3A_134 : i32 to vector<16xi32>
      %swap3A_136 = arith.constant 256 : index
      %swap3A_137 = tpu.vector_load %arg11[%swap3A_136] {strides = array<i32>} : memref<512xi32, #tpu.memory_space<vmem>>, vector<16xi32>,
      %swap3A_138 = vector.shape_cast %swap3A_137 : vector<16xi32> to vector<16xi32>
      %swap3A_139 = vector.shape_cast %broadcast_in_dim3A_135 : vector<16xi32> to vector<16xi32>
      tpu.vector_store %arg11[%swap3A_136], %swap3A_139 {strides = array<i32>} : memref<512xi32, #tpu.memory_space<vmem>>, vector<16xi32>,
      %broadcast_in_dim3A_140 = arith.constant 0 : i32
      %broadcast_in_dim3A_141 = vector.broadcast %broadcast_in_dim3A_140 : i32 to vector<16xi32>
      %swap3A_142 = arith.constant 272 : index
      %swap3A_143 = tpu.vector_load %arg11[%swap3A_142] {strides = array<i32>} : memref<512xi32, #tpu.memory_space<vmem>>, vector<16xi32>,
      %swap3A_144 = vector.shape_cast %swap3A_143 : vector<16xi32> to vector<16xi32>
      %swap3A_145 = vector.shape_cast %broadcast_in_dim3A_141 : vector<16xi32> to vector<16xi32>
      tpu.vector_store %arg11[%swap3A_142], %swap3A_145 {strides = array<i32>} : memref<512xi32, #tpu.memory_space<vmem>>, vector<16xi32>,
      %broadcast_in_dim3A_146 = arith.constant 0 : i32
      %broadcast_in_dim3A_147 = vector.broadcast %broadcast_in_dim3A_146 : i32 to vector<16xi32>
      %swap3A_148 = arith.constant 288 : index
      %swap3A_149 = tpu.vector_load %arg11[%swap3A_148] {strides = array<i32>} : memref<512xi32, #tpu.memory_space<vmem>>, vector<16xi32>,
      %swap3A_150 = vector.shape_cast %swap3A_149 : vector<16xi32> to vector<16xi32>
      %swap3A_151 = vector.shape_cast %broadcast_in_dim3A_147 : vector<16xi32> to vector<16xi32>
      tpu.vector_store %arg11[%swap3A_148], %swap3A_151 {strides = array<i32>} : memref<512xi32, #tpu.memory_space<vmem>>, vector<16xi32>,
      %broadcast_in_dim3A_152 = arith.constant 0 : i32
      %broadcast_in_dim3A_153 = vector.broadcast %broadcast_in_dim3A_152 : i32 to vector<16xi32>
      %swap3A_154 = arith.constant 304 : index
      %swap3A_155 = tpu.vector_load %arg11[%swap3A_154] {strides = array<i32>} : memref<512xi32, #tpu.memory_space<vmem>>, vector<16xi32>,
      %swap3A_156 = vector.shape_cast %swap3A_155 : vector<16xi32> to vector<16xi32>
      %swap3A_157 = vector.shape_cast %broadcast_in_dim3A_153 : vector<16xi32> to vector<16xi32>
      tpu.vector_store %arg11[%swap3A_154], %swap3A_157 {strides = array<i32>} : memref<512xi32, #tpu.memory_space<vmem>>, vector<16xi32>,
      %broadcast_in_dim3A_158 = arith.constant 0 : i32
      %broadcast_in_dim3A_159 = vector.broadcast %broadcast_in_dim3A_158 : i32 to vector<16xi32>
      %swap3A_160 = arith.constant 320 : index
      %swap3A_161 = tpu.vector_load %arg11[%swap3A_160] {strides = array<i32>} : memref<512xi32, #tpu.memory_space<vmem>>, vector<16xi32>,
      %swap3A_162 = vector.shape_cast %swap3A_161 : vector<16xi32> to vector<16xi32>
      %swap3A_163 = vector.shape_cast %broadcast_in_dim3A_159 : vector<16xi32> to vector<16xi32>
      tpu.vector_store %arg11[%swap3A_160], %swap3A_163 {strides = array<i32>} : memref<512xi32, #tpu.memory_space<vmem>>, vector<16xi32>,
      %broadcast_in_dim3A_164 = arith.constant 0 : i32
      %broadcast_in_dim3A_165 = vector.broadcast %broadcast_in_dim3A_164 : i32 to vector<16xi32>
      %swap3A_166 = arith.constant 336 : index
      %swap3A_167 = tpu.vector_load %arg11[%swap3A_166] {strides = array<i32>} : memref<512xi32, #tpu.memory_space<vmem>>, vector<16xi32>,
      %swap3A_168 = vector.shape_cast %swap3A_167 : vector<16xi32> to vector<16xi32>
      %swap3A_169 = vector.shape_cast %broadcast_in_dim3A_165 : vector<16xi32> to vector<16xi32>
      tpu.vector_store %arg11[%swap3A_166], %swap3A_169 {strides = array<i32>} : memref<512xi32, #tpu.memory_space<vmem>>, vector<16xi32>,
      %broadcast_in_dim3A_170 = arith.constant 0 : i32
      %broadcast_in_dim3A_171 = vector.broadcast %broadcast_in_dim3A_170 : i32 to vector<16xi32>
      %swap3A_172 = arith.constant 352 : index
      %swap3A_173 = tpu.vector_load %arg11[%swap3A_172] {strides = array<i32>} : memref<512xi32, #tpu.memory_space<vmem>>, vector<16xi32>,
      %swap3A_174 = vector.shape_cast %swap3A_173 : vector<16xi32> to vector<16xi32>
      %swap3A_175 = vector.shape_cast %broadcast_in_dim3A_171 : vector<16xi32> to vector<16xi32>
      tpu.vector_store %arg11[%swap3A_172], %swap3A_175 {strides = array<i32>} : memref<512xi32, #tpu.memory_space<vmem>>, vector<16xi32>,
      %broadcast_in_dim3A_176 = arith.constant 0 : i32
      %broadcast_in_dim3A_177 = vector.broadcast %broadcast_in_dim3A_176 : i32 to vector<16xi32>
      %swap3A_178 = arith.constant 368 : index
      %swap3A_179 = tpu.vector_load %arg11[%swap3A_178] {strides = array<i32>} : memref<512xi32, #tpu.memory_space<vmem>>, vector<16xi32>,
      %swap3A_180 = vector.shape_cast %swap3A_179 : vector<16xi32> to vector<16xi32>
      %swap3A_181 = vector.shape_cast %broadcast_in_dim3A_177 : vector<16xi32> to vector<16xi32>
      tpu.vector_store %arg11[%swap3A_178], %swap3A_181 {strides = array<i32>} : memref<512xi32, #tpu.memory_space<vmem>>, vector<16xi32>,
      %broadcast_in_dim3A_182 = arith.constant 0 : i32
      %broadcast_in_dim3A_183 = vector.broadcast %broadcast_in_dim3A_182 : i32 to vector<16xi32>
      %swap3A_184 = arith.constant 384 : index
      %swap3A_185 = tpu.vector_load %arg11[%swap3A_184] {strides = array<i32>} : memref<512xi32, #tpu.memory_space<vmem>>, vector<16xi32>,
      %swap3A_186 = vector.shape_cast %swap3A_185 : vector<16xi32> to vector<16xi32>
      %swap3A_187 = vector.shape_cast %broadcast_in_dim3A_183 : vector<16xi32> to vector<16xi32>
      tpu.vector_store %arg11[%swap3A_184], %swap3A_187 {strides = array<i32>} : memref<512xi32, #tpu.memory_space<vmem>>, vector<16xi32>,
      %broadcast_in_dim3A_188 = arith.constant 0 : i32
      %broadcast_in_dim3A_189 = vector.broadcast %broadcast_in_dim3A_188 : i32 to vector<16xi32>
      %swap3A_190 = arith.constant 400 : index
      %swap3A_191 = tpu.vector_load %arg11[%swap3A_190] {strides = array<i32>} : memref<512xi32, #tpu.memory_space<vmem>>, vector<16xi32>,
      %swap3A_192 = vector.shape_cast %swap3A_191 : vector<16xi32> to vector<16xi32>
      %swap3A_193 = vector.shape_cast %broadcast_in_dim3A_189 : vector<16xi32> to vector<16xi32>
      tpu.vector_store %arg11[%swap3A_190], %swap3A_193 {strides = array<i32>} : memref<512xi32, #tpu.memory_space<vmem>>, vector<16xi32>,
      %broadcast_in_dim3A_194 = arith.constant 0 : i32
      %broadcast_in_dim3A_195 = vector.broadcast %broadcast_in_dim3A_194 : i32 to vector<16xi32>
      %swap3A_196 = arith.constant 416 : index
      %swap3A_197 = tpu.vector_load %arg11[%swap3A_196] {strides = array<i32>} : memref<512xi32, #tpu.memory_space<vmem>>, vector<16xi32>,
      %swap3A_198 = vector.shape_cast %swap3A_197 : vector<16xi32> to vector<16xi32>
      %swap3A_199 = vector.shape_cast %broadcast_in_dim3A_195 : vector<16xi32> to vector<16xi32>
      tpu.vector_store %arg11[%swap3A_196], %swap3A_199 {strides = array<i32>} : memref<512xi32, #tpu.memory_space<vmem>>, vector<16xi32>,
      %broadcast_in_dim3A_200 = arith.constant 0 : i32
      %broadcast_in_dim3A_201 = vector.broadcast %broadcast_in_dim3A_200 : i32 to vector<16xi32>
      %swap3A_202 = arith.constant 432 : index
      %swap3A_203 = tpu.vector_load %arg11[%swap3A_202] {strides = array<i32>} : memref<512xi32, #tpu.memory_space<vmem>>, vector<16xi32>,
      %swap3A_204 = vector.shape_cast %swap3A_203 : vector<16xi32> to vector<16xi32>
      %swap3A_205 = vector.shape_cast %broadcast_in_dim3A_201 : vector<16xi32> to vector<16xi32>
      tpu.vector_store %arg11[%swap3A_202], %swap3A_205 {strides = array<i32>} : memref<512xi32, #tpu.memory_space<vmem>>, vector<16xi32>,
      %broadcast_in_dim3A_206 = arith.constant 0 : i32
      %broadcast_in_dim3A_207 = vector.broadcast %broadcast_in_dim3A_206 : i32 to vector<16xi32>
      %swap3A_208 = arith.constant 448 : index
      %swap3A_209 = tpu.vector_load %arg11[%swap3A_208] {strides = array<i32>} : memref<512xi32, #tpu.memory_space<vmem>>, vector<16xi32>,
      %swap3A_210 = vector.shape_cast %swap3A_209 : vector<16xi32> to vector<16xi32>
      %swap3A_211 = vector.shape_cast %broadcast_in_dim3A_207 : vector<16xi32> to vector<16xi32>
      tpu.vector_store %arg11[%swap3A_208], %swap3A_211 {strides = array<i32>} : memref<512xi32, #tpu.memory_space<vmem>>, vector<16xi32>,
      %broadcast_in_dim3A_212 = arith.constant 0 : i32
      %broadcast_in_dim3A_213 = vector.broadcast %broadcast_in_dim3A_212 : i32 to vector<16xi32>
      %swap3A_214 = arith.constant 464 : index
      %swap3A_215 = tpu.vector_load %arg11[%swap3A_214] {strides = array<i32>} : memref<512xi32, #tpu.memory_space<vmem>>, vector<16xi32>,
      %swap3A_216 = vector.shape_cast %swap3A_215 : vector<16xi32> to vector<16xi32>
      %swap3A_217 = vector.shape_cast %broadcast_in_dim3A_213 : vector<16xi32> to vector<16xi32>
      tpu.vector_store %arg11[%swap3A_214], %swap3A_217 {strides = array<i32>} : memref<512xi32, #tpu.memory_space<vmem>>, vector<16xi32>,
      %broadcast_in_dim3A_218 = arith.constant 0 : i32
      %broadcast_in_dim3A_219 = vector.broadcast %broadcast_in_dim3A_218 : i32 to vector<16xi32>
      %swap3A_220 = arith.constant 480 : index
      %swap3A_221 = tpu.vector_load %arg11[%swap3A_220] {strides = array<i32>} : memref<512xi32, #tpu.memory_space<vmem>>, vector<16xi32>,
      %swap3A_222 = vector.shape_cast %swap3A_221 : vector<16xi32> to vector<16xi32>
      %swap3A_223 = vector.shape_cast %broadcast_in_dim3A_219 : vector<16xi32> to vector<16xi32>
      tpu.vector_store %arg11[%swap3A_220], %swap3A_223 {strides = array<i32>} : memref<512xi32, #tpu.memory_space<vmem>>, vector<16xi32>,
      %broadcast_in_dim3A_224 = arith.constant 0 : i32
      %broadcast_in_dim3A_225 = vector.broadcast %broadcast_in_dim3A_224 : i32 to vector<16xi32>
      %swap3A_226 = arith.constant 496 : index
      %swap3A_227 = tpu.vector_load %arg11[%swap3A_226] {strides = array<i32>} : memref<512xi32, #tpu.memory_space<vmem>>, vector<16xi32>,
      %swap3A_228 = vector.shape_cast %swap3A_227 : vector<16xi32> to vector<16xi32>
      %swap3A_229 = vector.shape_cast %broadcast_in_dim3A_225 : vector<16xi32> to vector<16xi32>
      tpu.vector_store %arg11[%swap3A_226], %swap3A_229 {strides = array<i32>} : memref<512xi32, #tpu.memory_space<vmem>>, vector<16xi32>,
      %mul3A_230 = arith.constant 512 : i32
      %mul3A_231 = arith.muli %arg1, %mul3A_230 : i32
      "tpu.region"() ({
        %run_scoped3A_299 = tpu.sem_alloc : memref<!tpu.dma_semaphore, #tpu.memory_space<semaphore_mem>>
        %dma_start3A_300 = tpu.memref_slice %arg12[%mul3A_231] : memref<8192xi32, #tpu.memory_space<vmem_shared>> -> memref<512xi32, #tpu.memory_space<vmem_shared>>
        %dma_start3A_301 = tpu.memref_slice %arg12[%mul3A_231] : memref<8192xi32, #tpu.memory_space<vmem_shared>> -> memref<512xi32, #tpu.memory_space<vmem_shared>>
        tpu.enqueue_dma source(%arg11 : memref<512xi32, #tpu.memory_space<vmem>>) target(%dma_start3A_301 : memref<512xi32, #tpu.memory_space<vmem_shared>>) target_semaphore(%run_scoped3A_299 : memref<!tpu.dma_semaphore, #tpu.memory_space<semaphore_mem>>)
        %dma_wait3A_302 = tpu.memref_slice %arg12[%mul3A_231] : memref<8192xi32, #tpu.memory_space<vmem_shared>> -> memref<512xi32, #tpu.memory_space<vmem_shared>>
        %dma_wait3A_303 = tpu.memref_slice %arg12[%mul3A_231] : memref<8192xi32, #tpu.memory_space<vmem_shared>> -> memref<512xi32, #tpu.memory_space<vmem_shared>>
        tpu.wait_dma2 semaphore(%run_scoped3A_299 : memref<!tpu.dma_semaphore, #tpu.memory_space<semaphore_mem>>) src(%arg11 : memref<512xi32, #tpu.memory_space<vmem>>) dst(%dma_wait3A_303 : memref<512xi32, #tpu.memory_space<vmem_shared>>)
        tpu.yield
      }) : () -> ()
      %mul3A_232 = arith.constant 512 : i32
      %mul3A_233 = arith.muli %arg1, %mul3A_232 : i32
      %add3A_234 = arith.constant 0 : i32
      %add3A_235 = arith.addi %mul3A_233, %add3A_234 : i32
      %run_scoped3A = arith.constant 0 : i32
      "tpu.region"() ({
        %run_scoped3A_299 = tpu.sem_alloc : memref<!tpu.dma_semaphore, #tpu.memory_space<semaphore_mem>>
        %dma_start3A_300 = arith.constant 0 : i32
        %dma_start3A_301 = tpu.memref_slice %arg9[%run_scoped3A, %dma_start3A_300] : memref<4x128xi32, #tpu.memory_space<vmem>> -> memref<1x128xi32, #tpu.memory_space<vmem>>
        %dma_start3A_302 = tpu.memref_squeeze %dma_start3A_301 : memref<1x128xi32, #tpu.memory_space<vmem>> -> memref<128xi32, #tpu.memory_space<vmem>>
        %dma_start3A_303 = tpu.memref_slice %arg3[%add3A_235] : memref<8192xi32, #tpu.memory_space<hbm>> -> memref<128xi32, #tpu.memory_space<hbm>>
        %dma_start3A_304 = arith.constant 0 : i32
        %dma_start3A_305 = tpu.memref_slice %arg9[%run_scoped3A, %dma_start3A_304] : memref<4x128xi32, #tpu.memory_space<vmem>> -> memref<1x128xi32, #tpu.memory_space<vmem>>
        %dma_start3A_306 = tpu.memref_squeeze %dma_start3A_305 : memref<1x128xi32, #tpu.memory_space<vmem>> -> memref<128xi32, #tpu.memory_space<vmem>>
        %dma_start3A_307 = tpu.memref_slice %arg3[%add3A_235] : memref<8192xi32, #tpu.memory_space<hbm>> -> memref<128xi32, #tpu.memory_space<hbm>>
        tpu.enqueue_dma source(%dma_start3A_307 : memref<128xi32, #tpu.memory_space<hbm>>) target(%dma_start3A_306 : memref<128xi32, #tpu.memory_space<vmem>>) target_semaphore(%run_scoped3A_299 : memref<!tpu.dma_semaphore, #tpu.memory_space<semaphore_mem>>)
        %dma_wait3A_308 = arith.constant 0 : i32
        %dma_wait3A_309 = tpu.memref_slice %arg9[%run_scoped3A, %dma_wait3A_308] : memref<4x128xi32, #tpu.memory_space<vmem>> -> memref<1x128xi32, #tpu.memory_space<vmem>>
        %dma_wait3A_310 = tpu.memref_squeeze %dma_wait3A_309 : memref<1x128xi32, #tpu.memory_space<vmem>> -> memref<128xi32, #tpu.memory_space<vmem>>
        %dma_wait3A_311 = tpu.memref_slice %arg3[%add3A_235] : memref<8192xi32, #tpu.memory_space<hbm>> -> memref<128xi32, #tpu.memory_space<hbm>>
        %dma_wait3A_312 = arith.constant 0 : i32
        %dma_wait3A_313 = tpu.memref_slice %arg9[%run_scoped3A, %dma_wait3A_312] : memref<4x128xi32, #tpu.memory_space<vmem>> -> memref<1x128xi32, #tpu.memory_space<vmem>>
        %dma_wait3A_314 = tpu.memref_squeeze %dma_wait3A_313 : memref<1x128xi32, #tpu.memory_space<vmem>> -> memref<128xi32, #tpu.memory_space<vmem>>
        %dma_wait3A_315 = tpu.memref_slice %arg3[%add3A_235] : memref<8192xi32, #tpu.memory_space<hbm>> -> memref<128xi32, #tpu.memory_space<hbm>>
        tpu.wait_dma2 semaphore(%run_scoped3A_299 : memref<!tpu.dma_semaphore, #tpu.memory_space<semaphore_mem>>) src(%dma_wait3A_315 : memref<128xi32, #tpu.memory_space<hbm>>) dst(%dma_wait3A_314 : memref<128xi32, #tpu.memory_space<vmem>>)
        tpu.yield
      }) : () -> ()
      %mul3A_236 = arith.constant 512 : i32
      %mul3A_237 = arith.muli %arg1, %mul3A_236 : i32
      %add3A_238 = arith.constant 128 : i32
      %add3A_239 = arith.addi %mul3A_237, %add3A_238 : i32
      %run_scoped3A_240 = arith.constant 1 : i32
      "tpu.region"() ({
        %run_scoped3A_299 = tpu.sem_alloc : memref<!tpu.dma_semaphore, #tpu.memory_space<semaphore_mem>>
        %dma_start3A_300 = arith.constant 0 : i32
        %dma_start3A_301 = tpu.memref_slice %arg9[%run_scoped3A_240, %dma_start3A_300] : memref<4x128xi32, #tpu.memory_space<vmem>> -> memref<1x128xi32, #tpu.memory_space<vmem>>
        %dma_start3A_302 = tpu.memref_squeeze %dma_start3A_301 : memref<1x128xi32, #tpu.memory_space<vmem>> -> memref<128xi32, #tpu.memory_space<vmem>>
        %dma_start3A_303 = tpu.memref_slice %arg3[%add3A_239] : memref<8192xi32, #tpu.memory_space<hbm>> -> memref<128xi32, #tpu.memory_space<hbm>>
        %dma_start3A_304 = arith.constant 0 : i32
        %dma_start3A_305 = tpu.memref_slice %arg9[%run_scoped3A_240, %dma_start3A_304] : memref<4x128xi32, #tpu.memory_space<vmem>> -> memref<1x128xi32, #tpu.memory_space<vmem>>
        %dma_start3A_306 = tpu.memref_squeeze %dma_start3A_305 : memref<1x128xi32, #tpu.memory_space<vmem>> -> memref<128xi32, #tpu.memory_space<vmem>>
        %dma_start3A_307 = tpu.memref_slice %arg3[%add3A_239] : memref<8192xi32, #tpu.memory_space<hbm>> -> memref<128xi32, #tpu.memory_space<hbm>>
        tpu.enqueue_dma source(%dma_start3A_307 : memref<128xi32, #tpu.memory_space<hbm>>) target(%dma_start3A_306 : memref<128xi32, #tpu.memory_space<vmem>>) target_semaphore(%run_scoped3A_299 : memref<!tpu.dma_semaphore, #tpu.memory_space<semaphore_mem>>)
        %dma_wait3A_308 = arith.constant 0 : i32
        %dma_wait3A_309 = tpu.memref_slice %arg9[%run_scoped3A_240, %dma_wait3A_308] : memref<4x128xi32, #tpu.memory_space<vmem>> -> memref<1x128xi32, #tpu.memory_space<vmem>>
        %dma_wait3A_310 = tpu.memref_squeeze %dma_wait3A_309 : memref<1x128xi32, #tpu.memory_space<vmem>> -> memref<128xi32, #tpu.memory_space<vmem>>
        %dma_wait3A_311 = tpu.memref_slice %arg3[%add3A_239] : memref<8192xi32, #tpu.memory_space<hbm>> -> memref<128xi32, #tpu.memory_space<hbm>>
        %dma_wait3A_312 = arith.constant 0 : i32
        %dma_wait3A_313 = tpu.memref_slice %arg9[%run_scoped3A_240, %dma_wait3A_312] : memref<4x128xi32, #tpu.memory_space<vmem>> -> memref<1x128xi32, #tpu.memory_space<vmem>>
        %dma_wait3A_314 = tpu.memref_squeeze %dma_wait3A_313 : memref<1x128xi32, #tpu.memory_space<vmem>> -> memref<128xi32, #tpu.memory_space<vmem>>
        %dma_wait3A_315 = tpu.memref_slice %arg3[%add3A_239] : memref<8192xi32, #tpu.memory_space<hbm>> -> memref<128xi32, #tpu.memory_space<hbm>>
        tpu.wait_dma2 semaphore(%run_scoped3A_299 : memref<!tpu.dma_semaphore, #tpu.memory_space<semaphore_mem>>) src(%dma_wait3A_315 : memref<128xi32, #tpu.memory_space<hbm>>) dst(%dma_wait3A_314 : memref<128xi32, #tpu.memory_space<vmem>>)
        tpu.yield
      }) : () -> ()
      %mul3A_241 = arith.constant 512 : i32
      %mul3A_242 = arith.muli %arg1, %mul3A_241 : i32
      %add3A_243 = arith.constant 256 : i32
      %add3A_244 = arith.addi %mul3A_242, %add3A_243 : i32
      %run_scoped3A_245 = arith.constant 2 : i32
      "tpu.region"() ({
        %run_scoped3A_299 = tpu.sem_alloc : memref<!tpu.dma_semaphore, #tpu.memory_space<semaphore_mem>>
        %dma_start3A_300 = arith.constant 0 : i32
        %dma_start3A_301 = tpu.memref_slice %arg9[%run_scoped3A_245, %dma_start3A_300] : memref<4x128xi32, #tpu.memory_space<vmem>> -> memref<1x128xi32, #tpu.memory_space<vmem>>
        %dma_start3A_302 = tpu.memref_squeeze %dma_start3A_301 : memref<1x128xi32, #tpu.memory_space<vmem>> -> memref<128xi32, #tpu.memory_space<vmem>>
        %dma_start3A_303 = tpu.memref_slice %arg3[%add3A_244] : memref<8192xi32, #tpu.memory_space<hbm>> -> memref<128xi32, #tpu.memory_space<hbm>>
        %dma_start3A_304 = arith.constant 0 : i32
        %dma_start3A_305 = tpu.memref_slice %arg9[%run_scoped3A_245, %dma_start3A_304] : memref<4x128xi32, #tpu.memory_space<vmem>> -> memref<1x128xi32, #tpu.memory_space<vmem>>
        %dma_start3A_306 = tpu.memref_squeeze %dma_start3A_305 : memref<1x128xi32, #tpu.memory_space<vmem>> -> memref<128xi32, #tpu.memory_space<vmem>>
        %dma_start3A_307 = tpu.memref_slice %arg3[%add3A_244] : memref<8192xi32, #tpu.memory_space<hbm>> -> memref<128xi32, #tpu.memory_space<hbm>>
        tpu.enqueue_dma source(%dma_start3A_307 : memref<128xi32, #tpu.memory_space<hbm>>) target(%dma_start3A_306 : memref<128xi32, #tpu.memory_space<vmem>>) target_semaphore(%run_scoped3A_299 : memref<!tpu.dma_semaphore, #tpu.memory_space<semaphore_mem>>)
        %dma_wait3A_308 = arith.constant 0 : i32
        %dma_wait3A_309 = tpu.memref_slice %arg9[%run_scoped3A_245, %dma_wait3A_308] : memref<4x128xi32, #tpu.memory_space<vmem>> -> memref<1x128xi32, #tpu.memory_space<vmem>>
        %dma_wait3A_310 = tpu.memref_squeeze %dma_wait3A_309 : memref<1x128xi32, #tpu.memory_space<vmem>> -> memref<128xi32, #tpu.memory_space<vmem>>
        %dma_wait3A_311 = tpu.memref_slice %arg3[%add3A_244] : memref<8192xi32, #tpu.memory_space<hbm>> -> memref<128xi32, #tpu.memory_space<hbm>>
        %dma_wait3A_312 = arith.constant 0 : i32
        %dma_wait3A_313 = tpu.memref_slice %arg9[%run_scoped3A_245, %dma_wait3A_312] : memref<4x128xi32, #tpu.memory_space<vmem>> -> memref<1x128xi32, #tpu.memory_space<vmem>>
        %dma_wait3A_314 = tpu.memref_squeeze %dma_wait3A_313 : memref<1x128xi32, #tpu.memory_space<vmem>> -> memref<128xi32, #tpu.memory_space<vmem>>
        %dma_wait3A_315 = tpu.memref_slice %arg3[%add3A_244] : memref<8192xi32, #tpu.memory_space<hbm>> -> memref<128xi32, #tpu.memory_space<hbm>>
        tpu.wait_dma2 semaphore(%run_scoped3A_299 : memref<!tpu.dma_semaphore, #tpu.memory_space<semaphore_mem>>) src(%dma_wait3A_315 : memref<128xi32, #tpu.memory_space<hbm>>) dst(%dma_wait3A_314 : memref<128xi32, #tpu.memory_space<vmem>>)
        tpu.yield
      }) : () -> ()
      %mul3A_246 = arith.constant 512 : i32
      %mul3A_247 = arith.muli %arg1, %mul3A_246 : i32
      %add3A_248 = arith.constant 384 : i32
      %add3A_249 = arith.addi %mul3A_247, %add3A_248 : i32
      %run_scoped3A_250 = arith.constant 3 : i32
      "tpu.region"() ({
        %run_scoped3A_299 = tpu.sem_alloc : memref<!tpu.dma_semaphore, #tpu.memory_space<semaphore_mem>>
        %dma_start3A_300 = arith.constant 0 : i32
        %dma_start3A_301 = tpu.memref_slice %arg9[%run_scoped3A_250, %dma_start3A_300] : memref<4x128xi32, #tpu.memory_space<vmem>> -> memref<1x128xi32, #tpu.memory_space<vmem>>
        %dma_start3A_302 = tpu.memref_squeeze %dma_start3A_301 : memref<1x128xi32, #tpu.memory_space<vmem>> -> memref<128xi32, #tpu.memory_space<vmem>>
        %dma_start3A_303 = tpu.memref_slice %arg3[%add3A_249] : memref<8192xi32, #tpu.memory_space<hbm>> -> memref<128xi32, #tpu.memory_space<hbm>>
        %dma_start3A_304 = arith.constant 0 : i32
        %dma_start3A_305 = tpu.memref_slice %arg9[%run_scoped3A_250, %dma_start3A_304] : memref<4x128xi32, #tpu.memory_space<vmem>> -> memref<1x128xi32, #tpu.memory_space<vmem>>
        %dma_start3A_306 = tpu.memref_squeeze %dma_start3A_305 : memref<1x128xi32, #tpu.memory_space<vmem>> -> memref<128xi32, #tpu.memory_space<vmem>>
        %dma_start3A_307 = tpu.memref_slice %arg3[%add3A_249] : memref<8192xi32, #tpu.memory_space<hbm>> -> memref<128xi32, #tpu.memory_space<hbm>>
        tpu.enqueue_dma source(%dma_start3A_307 : memref<128xi32, #tpu.memory_space<hbm>>) target(%dma_start3A_306 : memref<128xi32, #tpu.memory_space<vmem>>) target_semaphore(%run_scoped3A_299 : memref<!tpu.dma_semaphore, #tpu.memory_space<semaphore_mem>>)
        %dma_wait3A_308 = arith.constant 0 : i32
        %dma_wait3A_309 = tpu.memref_slice %arg9[%run_scoped3A_250, %dma_wait3A_308] : memref<4x128xi32, #tpu.memory_space<vmem>> -> memref<1x128xi32, #tpu.memory_space<vmem>>
        %dma_wait3A_310 = tpu.memref_squeeze %dma_wait3A_309 : memref<1x128xi32, #tpu.memory_space<vmem>> -> memref<128xi32, #tpu.memory_space<vmem>>
        %dma_wait3A_311 = tpu.memref_slice %arg3[%add3A_249] : memref<8192xi32, #tpu.memory_space<hbm>> -> memref<128xi32, #tpu.memory_space<hbm>>
        %dma_wait3A_312 = arith.constant 0 : i32
        %dma_wait3A_313 = tpu.memref_slice %arg9[%run_scoped3A_250, %dma_wait3A_312] : memref<4x128xi32, #tpu.memory_space<vmem>> -> memref<1x128xi32, #tpu.memory_space<vmem>>
        %dma_wait3A_314 = tpu.memref_squeeze %dma_wait3A_313 : memref<1x128xi32, #tpu.memory_space<vmem>> -> memref<128xi32, #tpu.memory_space<vmem>>
        %dma_wait3A_315 = tpu.memref_slice %arg3[%add3A_249] : memref<8192xi32, #tpu.memory_space<hbm>> -> memref<128xi32, #tpu.memory_space<hbm>>
        tpu.wait_dma2 semaphore(%run_scoped3A_299 : memref<!tpu.dma_semaphore, #tpu.memory_space<semaphore_mem>>) src(%dma_wait3A_315 : memref<128xi32, #tpu.memory_space<hbm>>) dst(%dma_wait3A_314 : memref<128xi32, #tpu.memory_space<vmem>>)
        tpu.yield
      }) : () -> ()
      %broadcast_in_dim3A_251 = arith.constant 1 : i32
      %broadcast_in_dim3A_252 = vector.broadcast %broadcast_in_dim3A_251 : i32 to vector<16xi32>
      %swap3A_253 = arith.constant 0 : index
      %swap3A_254 = tpu.vector_load %arg10[%swap3A_253] {strides = array<i32>} : memref<128xi32, #tpu.memory_space<vmem>>, vector<16xi32>,
      %swap3A_255 = vector.shape_cast %swap3A_254 : vector<16xi32> to vector<16xi32>
      %swap3A_256 = vector.shape_cast %broadcast_in_dim3A_252 : vector<16xi32> to vector<16xi32>
      tpu.vector_store %arg10[%swap3A_253], %swap3A_256 {strides = array<i32>} : memref<128xi32, #tpu.memory_space<vmem>>, vector<16xi32>,
      %broadcast_in_dim3A_257 = arith.constant 1 : i32
      %broadcast_in_dim3A_258 = vector.broadcast %broadcast_in_dim3A_257 : i32 to vector<16xi32>
      %swap3A_259 = arith.constant 16 : index
      %swap3A_260 = tpu.vector_load %arg10[%swap3A_259] {strides = array<i32>} : memref<128xi32, #tpu.memory_space<vmem>>, vector<16xi32>,
      %swap3A_261 = vector.shape_cast %swap3A_260 : vector<16xi32> to vector<16xi32>
      %swap3A_262 = vector.shape_cast %broadcast_in_dim3A_258 : vector<16xi32> to vector<16xi32>
      tpu.vector_store %arg10[%swap3A_259], %swap3A_262 {strides = array<i32>} : memref<128xi32, #tpu.memory_space<vmem>>, vector<16xi32>,
      %broadcast_in_dim3A_263 = arith.constant 1 : i32
      %broadcast_in_dim3A_264 = vector.broadcast %broadcast_in_dim3A_263 : i32 to vector<16xi32>
      %swap3A_265 = arith.constant 32 : index
      %swap3A_266 = tpu.vector_load %arg10[%swap3A_265] {strides = array<i32>} : memref<128xi32, #tpu.memory_space<vmem>>, vector<16xi32>,
      %swap3A_267 = vector.shape_cast %swap3A_266 : vector<16xi32> to vector<16xi32>
      %swap3A_268 = vector.shape_cast %broadcast_in_dim3A_264 : vector<16xi32> to vector<16xi32>
      tpu.vector_store %arg10[%swap3A_265], %swap3A_268 {strides = array<i32>} : memref<128xi32, #tpu.memory_space<vmem>>, vector<16xi32>,
      %broadcast_in_dim3A_269 = arith.constant 1 : i32
      %broadcast_in_dim3A_270 = vector.broadcast %broadcast_in_dim3A_269 : i32 to vector<16xi32>
      %swap3A_271 = arith.constant 48 : index
      %swap3A_272 = tpu.vector_load %arg10[%swap3A_271] {strides = array<i32>} : memref<128xi32, #tpu.memory_space<vmem>>, vector<16xi32>,
      %swap3A_273 = vector.shape_cast %swap3A_272 : vector<16xi32> to vector<16xi32>
      %swap3A_274 = vector.shape_cast %broadcast_in_dim3A_270 : vector<16xi32> to vector<16xi32>
      tpu.vector_store %arg10[%swap3A_271], %swap3A_274 {strides = array<i32>} : memref<128xi32, #tpu.memory_space<vmem>>, vector<16xi32>,
      %broadcast_in_dim3A_275 = arith.constant 1 : i32
      %broadcast_in_dim3A_276 = vector.broadcast %broadcast_in_dim3A_275 : i32 to vector<16xi32>
      %swap3A_277 = arith.constant 64 : index
      %swap3A_278 = tpu.vector_load %arg10[%swap3A_277] {strides = array<i32>} : memref<128xi32, #tpu.memory_space<vmem>>, vector<16xi32>,
      %swap3A_279 = vector.shape_cast %swap3A_278 : vector<16xi32> to vector<16xi32>
      %swap3A_280 = vector.shape_cast %broadcast_in_dim3A_276 : vector<16xi32> to vector<16xi32>
      tpu.vector_store %arg10[%swap3A_277], %swap3A_280 {strides = array<i32>} : memref<128xi32, #tpu.memory_space<vmem>>, vector<16xi32>,
      %broadcast_in_dim3A_281 = arith.constant 1 : i32
      %broadcast_in_dim3A_282 = vector.broadcast %broadcast_in_dim3A_281 : i32 to vector<16xi32>
      %swap3A_283 = arith.constant 80 : index
      %swap3A_284 = tpu.vector_load %arg10[%swap3A_283] {strides = array<i32>} : memref<128xi32, #tpu.memory_space<vmem>>, vector<16xi32>,
      %swap3A_285 = vector.shape_cast %swap3A_284 : vector<16xi32> to vector<16xi32>
      %swap3A_286 = vector.shape_cast %broadcast_in_dim3A_282 : vector<16xi32> to vector<16xi32>
      tpu.vector_store %arg10[%swap3A_283], %swap3A_286 {strides = array<i32>} : memref<128xi32, #tpu.memory_space<vmem>>, vector<16xi32>,
      %broadcast_in_dim3A_287 = arith.constant 1 : i32
      %broadcast_in_dim3A_288 = vector.broadcast %broadcast_in_dim3A_287 : i32 to vector<16xi32>
      %swap3A_289 = arith.constant 96 : index
      %swap3A_290 = tpu.vector_load %arg10[%swap3A_289] {strides = array<i32>} : memref<128xi32, #tpu.memory_space<vmem>>, vector<16xi32>,
      %swap3A_291 = vector.shape_cast %swap3A_290 : vector<16xi32> to vector<16xi32>
      %swap3A_292 = vector.shape_cast %broadcast_in_dim3A_288 : vector<16xi32> to vector<16xi32>
      tpu.vector_store %arg10[%swap3A_289], %swap3A_292 {strides = array<i32>} : memref<128xi32, #tpu.memory_space<vmem>>, vector<16xi32>,
      %broadcast_in_dim3A_293 = arith.constant 1 : i32
      %broadcast_in_dim3A_294 = vector.broadcast %broadcast_in_dim3A_293 : i32 to vector<16xi32>
      %swap3A_295 = arith.constant 112 : index
      %swap3A_296 = tpu.vector_load %arg10[%swap3A_295] {strides = array<i32>} : memref<128xi32, #tpu.memory_space<vmem>>, vector<16xi32>,
      %swap3A_297 = vector.shape_cast %swap3A_296 : vector<16xi32> to vector<16xi32>
      %swap3A_298 = vector.shape_cast %broadcast_in_dim3A_294 : vector<16xi32> to vector<16xi32>
      tpu.vector_store %arg10[%swap3A_295], %swap3A_298 {strides = array<i32>} : memref<128xi32, #tpu.memory_space<vmem>>, vector<16xi32>,
    } else {
    }
    %barrier3A = arith.constant 0 : index
    tpu.barrier barrier_id(%barrier3A)
    %eq3A_18 = arith.constant 0 : i32
    %eq3A_19 = arith.cmpi eq, %arg0, %eq3A_18 : i32
    %convert_element_type3A_20 = arith.extui %eq3A_19 : i1 to i32
    %cond3A_21 = arith.constant 0 : i32
    %cond3A_22 = arith.cmpi ne, %convert_element_type3A_20, %cond3A_21 : i32
    scf.if %cond3A_22 {
      %dma_start3A_40 = arith.constant 0 : i32
      %dma_start3A_41 = arith.constant 0 : i32
      %dma_start3A_42 = tpu.memref_slice %arg9[%dma_start3A_40, %dma_start3A_41] : memref<4x128xi32, #tpu.memory_space<vmem>> -> memref<1x128xi32, #tpu.memory_space<vmem>>
      %dma_start3A_43 = tpu.memref_squeeze %dma_start3A_42 : memref<1x128xi32, #tpu.memory_space<vmem>> -> memref<128xi32, #tpu.memory_space<vmem>>
      %dma_start3A_44 = arith.constant 0 : i32
      %dma_start3A_45 = tpu.memref_slice %arg12[%dma_start3A_44] : memref<8192xi32, #tpu.memory_space<vmem_shared>> -> memref<8192xi32, #tpu.memory_space<vmem_shared>>
      tpu.enqueue_indirect_dma source(%arg10 : memref<128xi32, #tpu.memory_space<vmem>>) target(%dma_start3A_45 : memref<8192xi32, #tpu.memory_space<vmem_shared>>) offsets(%dma_start3A_43 : memref<128xi32, #tpu.memory_space<vmem>>) semaphore(%arg14 : memref<!tpu.dma_semaphore, #tpu.memory_space<semaphore_mem>>) {add = true}
      %dma_start3A_46 = arith.constant 1 : i32
      %dma_start3A_47 = arith.constant 0 : i32
      %dma_start3A_48 = tpu.memref_slice %arg9[%dma_start3A_46, %dma_start3A_47] : memref<4x128xi32, #tpu.memory_space<vmem>> -> memref<1x128xi32, #tpu.memory_space<vmem>>
      %dma_start3A_49 = tpu.memref_squeeze %dma_start3A_48 : memref<1x128xi32, #tpu.memory_space<vmem>> -> memref<128xi32, #tpu.memory_space<vmem>>
      %dma_start3A_50 = arith.constant 0 : i32
      %dma_start3A_51 = tpu.memref_slice %arg12[%dma_start3A_50] : memref<8192xi32, #tpu.memory_space<vmem_shared>> -> memref<8192xi32, #tpu.memory_space<vmem_shared>>
      tpu.enqueue_indirect_dma source(%arg10 : memref<128xi32, #tpu.memory_space<vmem>>) target(%dma_start3A_51 : memref<8192xi32, #tpu.memory_space<vmem_shared>>) offsets(%dma_start3A_49 : memref<128xi32, #tpu.memory_space<vmem>>) semaphore(%arg14 : memref<!tpu.dma_semaphore, #tpu.memory_space<semaphore_mem>>) {add = true}
      %dma_start3A_52 = arith.constant 2 : i32
      %dma_start3A_53 = arith.constant 0 : i32
      %dma_start3A_54 = tpu.memref_slice %arg9[%dma_start3A_52, %dma_start3A_53] : memref<4x128xi32, #tpu.memory_space<vmem>> -> memref<1x128xi32, #tpu.memory_space<vmem>>
      %dma_start3A_55 = tpu.memref_squeeze %dma_start3A_54 : memref<1x128xi32, #tpu.memory_space<vmem>> -> memref<128xi32, #tpu.memory_space<vmem>>
      %dma_start3A_56 = arith.constant 0 : i32
      %dma_start3A_57 = tpu.memref_slice %arg12[%dma_start3A_56] : memref<8192xi32, #tpu.memory_space<vmem_shared>> -> memref<8192xi32, #tpu.memory_space<vmem_shared>>
      tpu.enqueue_indirect_dma source(%arg10 : memref<128xi32, #tpu.memory_space<vmem>>) target(%dma_start3A_57 : memref<8192xi32, #tpu.memory_space<vmem_shared>>) offsets(%dma_start3A_55 : memref<128xi32, #tpu.memory_space<vmem>>) semaphore(%arg14 : memref<!tpu.dma_semaphore, #tpu.memory_space<semaphore_mem>>) {add = true}
      %dma_start3A_58 = arith.constant 3 : i32
      %dma_start3A_59 = arith.constant 0 : i32
      %dma_start3A_60 = tpu.memref_slice %arg9[%dma_start3A_58, %dma_start3A_59] : memref<4x128xi32, #tpu.memory_space<vmem>> -> memref<1x128xi32, #tpu.memory_space<vmem>>
      %dma_start3A_61 = tpu.memref_squeeze %dma_start3A_60 : memref<1x128xi32, #tpu.memory_space<vmem>> -> memref<128xi32, #tpu.memory_space<vmem>>
      %dma_start3A_62 = arith.constant 0 : i32
      %dma_start3A_63 = tpu.memref_slice %arg12[%dma_start3A_62] : memref<8192xi32, #tpu.memory_space<vmem_shared>> -> memref<8192xi32, #tpu.memory_space<vmem_shared>>
      tpu.enqueue_indirect_dma source(%arg10 : memref<128xi32, #tpu.memory_space<vmem>>) target(%dma_start3A_63 : memref<8192xi32, #tpu.memory_space<vmem_shared>>) offsets(%dma_start3A_61 : memref<128xi32, #tpu.memory_space<vmem>>) semaphore(%arg14 : memref<!tpu.dma_semaphore, #tpu.memory_space<semaphore_mem>>) {add = true}
      %dma_wait3A_64 = arith.constant 0 : i32
      %dma_wait3A_65 = arith.constant 0 : i32
      %dma_wait3A_66 = tpu.memref_slice %arg9[%dma_wait3A_64, %dma_wait3A_65] : memref<4x128xi32, #tpu.memory_space<vmem>> -> memref<1x128xi32, #tpu.memory_space<vmem>>
      %dma_wait3A_67 = tpu.memref_squeeze %dma_wait3A_66 : memref<1x128xi32, #tpu.memory_space<vmem>> -> memref<128xi32, #tpu.memory_space<vmem>>
      %dma_wait3A_68 = arith.constant 0 : i32
      %dma_wait3A_69 = tpu.memref_slice %arg12[%dma_wait3A_68] : memref<8192xi32, #tpu.memory_space<vmem_shared>> -> memref<8192xi32, #tpu.memory_space<vmem_shared>>
      tpu.wait_indirect_dma semaphore(%arg14 : memref<!tpu.dma_semaphore, #tpu.memory_space<semaphore_mem>>) src(%arg10 : memref<128xi32, #tpu.memory_space<vmem>>) dst(%dma_wait3A_69 : memref<8192xi32, #tpu.memory_space<vmem_shared>>)
      %dma_wait3A_70 = arith.constant 1 : i32
      %dma_wait3A_71 = arith.constant 0 : i32
      %dma_wait3A_72 = tpu.memref_slice %arg9[%dma_wait3A_70, %dma_wait3A_71] : memref<4x128xi32, #tpu.memory_space<vmem>> -> memref<1x128xi32, #tpu.memory_space<vmem>>
      %dma_wait3A_73 = tpu.memref_squeeze %dma_wait3A_72 : memref<1x128xi32, #tpu.memory_space<vmem>> -> memref<128xi32, #tpu.memory_space<vmem>>
      %dma_wait3A_74 = arith.constant 0 : i32
      %dma_wait3A_75 = tpu.memref_slice %arg12[%dma_wait3A_74] : memref<8192xi32, #tpu.memory_space<vmem_shared>> -> memref<8192xi32, #tpu.memory_space<vmem_shared>>
      tpu.wait_indirect_dma semaphore(%arg14 : memref<!tpu.dma_semaphore, #tpu.memory_space<semaphore_mem>>) src(%arg10 : memref<128xi32, #tpu.memory_space<vmem>>) dst(%dma_wait3A_75 : memref<8192xi32, #tpu.memory_space<vmem_shared>>)
      %dma_wait3A_76 = arith.constant 2 : i32
      %dma_wait3A_77 = arith.constant 0 : i32
      %dma_wait3A_78 = tpu.memref_slice %arg9[%dma_wait3A_76, %dma_wait3A_77] : memref<4x128xi32, #tpu.memory_space<vmem>> -> memref<1x128xi32, #tpu.memory_space<vmem>>
      %dma_wait3A_79 = tpu.memref_squeeze %dma_wait3A_78 : memref<1x128xi32, #tpu.memory_space<vmem>> -> memref<128xi32, #tpu.memory_space<vmem>>
      %dma_wait3A_80 = arith.constant 0 : i32
      %dma_wait3A_81 = tpu.memref_slice %arg12[%dma_wait3A_80] : memref<8192xi32, #tpu.memory_space<vmem_shared>> -> memref<8192xi32, #tpu.memory_space<vmem_shared>>
      tpu.wait_indirect_dma semaphore(%arg14 : memref<!tpu.dma_semaphore, #tpu.memory_space<semaphore_mem>>) src(%arg10 : memref<128xi32, #tpu.memory_space<vmem>>) dst(%dma_wait3A_81 : memref<8192xi32, #tpu.memory_space<vmem_shared>>)
      %dma_wait3A_82 = arith.constant 3 : i32
      %dma_wait3A_83 = arith.constant 0 : i32
      %dma_wait3A_84 = tpu.memref_slice %arg9[%dma_wait3A_82, %dma_wait3A_83] : memref<4x128xi32, #tpu.memory_space<vmem>> -> memref<1x128xi32, #tpu.memory_space<vmem>>
      %dma_wait3A_85 = tpu.memref_squeeze %dma_wait3A_84 : memref<1x128xi32, #tpu.memory_space<vmem>> -> memref<128xi32, #tpu.memory_space<vmem>>
      %dma_wait3A_86 = arith.constant 0 : i32
      %dma_wait3A_87 = tpu.memref_slice %arg12[%dma_wait3A_86] : memref<8192xi32, #tpu.memory_space<vmem_shared>> -> memref<8192xi32, #tpu.memory_space<vmem_shared>>
      tpu.wait_indirect_dma semaphore(%arg14 : memref<!tpu.dma_semaphore, #tpu.memory_space<semaphore_mem>>) src(%arg10 : memref<128xi32, #tpu.memory_space<vmem>>) dst(%dma_wait3A_87 : memref<8192xi32, #tpu.memory_space<vmem_shared>>)
    } else {
    }
    %barrier3A_23 = arith.constant 0 : index
    tpu.barrier barrier_id(%barrier3A_23)
    %eq3A_24 = arith.constant 0 : i32
    %eq3A_25 = arith.cmpi eq, %arg0, %eq3A_24 : i32
    %convert_element_type3A_26 = arith.extui %eq3A_25 : i1 to i32
    %cond3A_27 = arith.constant 0 : i32
    %cond3A_28 = arith.cmpi ne, %convert_element_type3A_26, %cond3A_27 : i32
    scf.if %cond3A_28 {
      %mul3A_40 = arith.constant 512 : i32
      %mul3A_41 = arith.muli %arg1, %mul3A_40 : i32
      %mul3A_42 = arith.constant 512 : i32
      %mul3A_43 = arith.muli %arg1, %mul3A_42 : i32
      "tpu.region"() ({
        %run_scoped3A = tpu.sem_alloc : memref<!tpu.dma_semaphore, #tpu.memory_space<semaphore_mem>>
        %dma_start3A_44 = tpu.memref_slice %arg5[%mul3A_43] : memref<8192xi32, #tpu.memory_space<hbm>> -> memref<512xi32, #tpu.memory_space<hbm>>
        %dma_start3A_45 = tpu.memref_slice %arg12[%mul3A_41] : memref<8192xi32, #tpu.memory_space<vmem_shared>> -> memref<512xi32, #tpu.memory_space<vmem_shared>>
        tpu.enqueue_dma source(%dma_start3A_45 : memref<512xi32, #tpu.memory_space<vmem_shared>>) target(%dma_start3A_44 : memref<512xi32, #tpu.memory_space<hbm>>) target_semaphore(%run_scoped3A : memref<!tpu.dma_semaphore, #tpu.memory_space<semaphore_mem>>)
        %dma_wait3A_46 = tpu.memref_slice %arg5[%mul3A_43] : memref<8192xi32, #tpu.memory_space<hbm>> -> memref<512xi32, #tpu.memory_space<hbm>>
        %dma_wait3A_47 = tpu.memref_slice %arg12[%mul3A_41] : memref<8192xi32, #tpu.memory_space<vmem_shared>> -> memref<512xi32, #tpu.memory_space<vmem_shared>>
        tpu.wait_dma2 semaphore(%run_scoped3A : memref<!tpu.dma_semaphore, #tpu.memory_space<semaphore_mem>>) src(%dma_wait3A_47 : memref<512xi32, #tpu.memory_space<vmem_shared>>) dst(%dma_wait3A_46 : memref<512xi32, #tpu.memory_space<hbm>>)
        tpu.yield
      }) : () -> ()
    } else {
    }
    %dma_wait3A = arith.constant 0 : i32
    %dma_wait3A_29 = arith.constant 0 : i32
    %dma_wait3A_30 = tpu.memref_slice %arg8[%dma_wait3A, %dma_wait3A_29] : memref<256x256xf32, #tpu.memory_space<vmem>> -> memref<128x256xf32, #tpu.memory_space<vmem>>
    %dma_wait3A_31 = arith.constant 0 : i32
    %dma_wait3A_32 = arith.constant 0 : i32
    %dma_wait3A_33 = tpu.memref_slice %arg2[%dma_wait3A_31, %dma_wait3A_32] : memref<8192x256xf32, #tpu.memory_space<hbm>> -> memref<8192x256xf32, #tpu.memory_space<hbm>>
    tpu.wait_indirect_dma semaphore(%arg13 : memref<!tpu.dma_semaphore, #tpu.memory_space<semaphore_mem>>) src(%dma_wait3A_33 : memref<8192x256xf32, #tpu.memory_space<hbm>>) dst(%dma_wait3A_30 : memref<128x256xf32, #tpu.memory_space<vmem>>)
    %dma_wait3A_34 = arith.constant 128 : i32
    %dma_wait3A_35 = arith.constant 0 : i32
    %dma_wait3A_36 = tpu.memref_slice %arg8[%dma_wait3A_34, %dma_wait3A_35] : memref<256x256xf32, #tpu.memory_space<vmem>> -> memref<128x256xf32, #tpu.memory_space<vmem>>
    %dma_wait3A_37 = arith.constant 0 : i32
    %dma_wait3A_38 = arith.constant 0 : i32
    %dma_wait3A_39 = tpu.memref_slice %arg2[%dma_wait3A_37, %dma_wait3A_38] : memref<8192x256xf32, #tpu.memory_space<hbm>> -> memref<8192x256xf32, #tpu.memory_space<hbm>>
    tpu.wait_indirect_dma semaphore(%arg13 : memref<!tpu.dma_semaphore, #tpu.memory_space<semaphore_mem>>) src(%dma_wait3A_39 : memref<8192x256xf32, #tpu.memory_space<hbm>>) dst(%dma_wait3A_36 : memref<128x256xf32, #tpu.memory_space<vmem>>)
    "tpu.region"() ({
      %run_scoped3A = tpu.sem_alloc : memref<!tpu.dma_semaphore, #tpu.memory_space<semaphore_mem>>
      %dma_start3A_40 = arith.constant 0 : i32
      %dma_start3A_41 = tpu.memref_slice %arg4[%mul3A_2, %dma_start3A_40] : memref<8192x256xf32, #tpu.memory_space<hbm>> -> memref<256x256xf32, #tpu.memory_space<hbm>>
      %dma_start3A_42 = arith.constant 0 : i32
      %dma_start3A_43 = tpu.memref_slice %arg4[%mul3A_2, %dma_start3A_42] : memref<8192x256xf32, #tpu.memory_space<hbm>> -> memref<256x256xf32, #tpu.memory_space<hbm>>
      tpu.enqueue_dma source(%arg8 : memref<256x256xf32, #tpu.memory_space<vmem>>) target(%dma_start3A_43 : memref<256x256xf32, #tpu.memory_space<hbm>>) target_semaphore(%run_scoped3A : memref<!tpu.dma_semaphore, #tpu.memory_space<semaphore_mem>>)
      %dma_wait3A_44 = arith.constant 0 : i32
      %dma_wait3A_45 = tpu.memref_slice %arg4[%mul3A_2, %dma_wait3A_44] : memref<8192x256xf32, #tpu.memory_space<hbm>> -> memref<256x256xf32, #tpu.memory_space<hbm>>
      %dma_wait3A_46 = arith.constant 0 : i32
      %dma_wait3A_47 = tpu.memref_slice %arg4[%mul3A_2, %dma_wait3A_46] : memref<8192x256xf32, #tpu.memory_space<hbm>> -> memref<256x256xf32, #tpu.memory_space<hbm>>
      tpu.wait_dma2 semaphore(%run_scoped3A : memref<!tpu.dma_semaphore, #tpu.memory_space<semaphore_mem>>) src(%arg8 : memref<256x256xf32, #tpu.memory_space<vmem>>) dst(%dma_wait3A_47 : memref<256x256xf32, #tpu.memory_space<hbm>>)
      tpu.yield
    }) : () -> ()
    return
  }
}

module attributes {stable_mosaic.version = 14 : i64} {
  func.func @_dist_argmin_body(%arg0: i32, %arg1: memref<512x256xf32, #tpu.memory_space<vmem>>, %arg2: memref<256x8192xf32, #tpu.memory_space<vmem>>, %arg3: memref<512x1xf32, #tpu.memory_space<vmem>>, %arg4: memref<1x8192xf32, #tpu.memory_space<vmem>>, %arg5: memref<512x1xi32, #tpu.memory_space<vmem>>, %arg6: memref<1x1xf32, #tpu.memory_space<vmem>>, %arg7: memref<1x1xf32, #tpu.memory_space<smem>>) attributes {dimension_semantics = [#tpu.dimension_semantics<arbitrary>], iteration_bounds = array<i64: 16>, scalar_prefetch = 0 : i64, scratch_operands = 1 : i64, tpu.core_type = #tpu.core_type<tc>, window_params = [{transform_indices = @transform_0, window_bounds = array<i64: 512, 256>}, {pipeline_mode = #tpu.pipeline_mode<synchronous>, transform_indices = @transform_1, window_bounds = array<i64: 256, 8192>}, {transform_indices = @transform_2, window_bounds = array<i64: 512, 1>}, {pipeline_mode = #tpu.pipeline_mode<synchronous>, transform_indices = @transform_3, window_bounds = array<i64: 1, 8192>}, {transform_indices = @transform_4, window_bounds = array<i64: 512, 1>}, {pipeline_mode = #tpu.pipeline_mode<synchronous>, transform_indices = @transform_5, window_bounds = array<i64: 1, 1>}]} {
    %eq3A = arith.constant 0 : i32
    %eq3A_0 = arith.cmpi eq, %arg0, %eq3A : i32
    %convert_element_type3A = arith.extui %eq3A_0 : i1 to i32
    %cond3A = arith.constant 0 : i32
    %cond3A_1 = arith.cmpi ne, %convert_element_type3A, %cond3A : i32
    scf.if %cond3A_1 {
      %swap3A_42 = arith.constant 0.000000e+00 : f32
      %swap3A_43 = arith.constant 0 : index
      %swap3A_44 = arith.constant 0 : index
      %swap3A_45 = memref.load %arg7[%swap3A_43, %swap3A_44] : memref<1x1xf32, #tpu.memory_space<smem>>
      memref.store %swap3A_42, %arg7[%swap3A_43, %swap3A_44] : memref<1x1xf32, #tpu.memory_space<smem>>
    } else {
    }
    %get3A = arith.constant 0 : index
    %get3A_2 = arith.constant 0 : index
    %get3A_3 = vector.load %arg1[%get3A, %get3A_2] : memref<512x256xf32, #tpu.memory_space<vmem>>, vector<512x256xf32>
    %add3A = arith.addf %get3A_3, %get3A_3 : vector<512x256xf32>
    %get3A_4 = arith.constant 0 : index
    %get3A_5 = arith.constant 0 : index
    %get3A_6 = vector.load %arg2[%get3A_4, %get3A_5] : memref<256x8192xf32, #tpu.memory_space<vmem>>, vector<256x8192xf32>
    %dot_general3A = arith.constant dense<0.000000e+00> : vector<512x8192xf32>
    %dot_general3A_7 = tpu.matmul %add3A, %get3A_6, %dot_general3A {dimension_numbers = #tpu.dot_dimension_numbers<[1], [0], [0], [1], [0, 0, 1, 1], [], []>, transpose_lhs_hint = false} : vector<512x256xf32>, vector<256x8192xf32>, vector<512x8192xf32> -> vector<512x8192xf32>
    %get3A_8 = arith.constant 0 : index
    %get3A_9 = arith.constant 0 : index
    %get3A_10 = vector.load %arg3[%get3A_8, %get3A_9] : memref<512x1xf32, #tpu.memory_space<vmem>>, vector<512x1xf32>
    %get3A_11 = arith.constant 0 : index
    %get3A_12 = arith.constant 0 : index
    %get3A_13 = vector.load %arg4[%get3A_11, %get3A_12] : memref<1x8192xf32, #tpu.memory_space<vmem>>, vector<1x8192xf32>
    %add3A_14 = vector.broadcast %get3A_10 : vector<512x1xf32> to vector<512x8192xf32>
    %add3A_15 = vector.broadcast %get3A_13 : vector<1x8192xf32> to vector<512x8192xf32>
    %add3A_16 = arith.addf %add3A_14, %add3A_15 : vector<512x8192xf32>
    %sub3A = arith.subf %add3A_16, %dot_general3A_7 : vector<512x8192xf32>
    %reduce_min3A = arith.constant dense<0x7F800000> : vector<512xf32>
    %reduce_min3A_17 = vector.multi_reduction <minimumf>, %sub3A, %reduce_min3A [1] : vector<512x8192xf32> to vector<512xf32>
    %broadcast_in_dim3A = vector.shape_cast %reduce_min3A_17 : vector<512xf32> to vector<512x1xf32>
    %iota3A = tpu.iota {dimensions = array<i32: 1>} : vector<512x8192xi32>
    %eq3A_18 = vector.broadcast %broadcast_in_dim3A : vector<512x1xf32> to vector<512x8192xf32>
    %eq3A_19 = arith.cmpf oeq, %sub3A, %eq3A_18 : vector<512x8192xf32>
    %jit3A = arith.constant 8192 : i32
    %broadcast_in_dim3A_20 = vector.broadcast %jit3A : i32 to vector<512x8192xi32>
    %select_n3A = arith.select %eq3A_19, %iota3A, %broadcast_in_dim3A_20 : vector<512x8192xi1>, vector<512x8192xi32>
    %reduce_min3A_21 = arith.constant dense<2147483647> : vector<512xi32>
    %reduce_min3A_22 = vector.multi_reduction <minsi>, %select_n3A, %reduce_min3A_21 [1] : vector<512x8192xi32> to vector<512xi32>
    %broadcast_in_dim3A_23 = vector.shape_cast %reduce_min3A_22 : vector<512xi32> to vector<512x1xi32>
    %swap3A = arith.constant 0 : index
    %swap3A_24 = arith.constant 0 : index
    %swap3A_25 = vector.load %arg5[%swap3A, %swap3A_24] : memref<512x1xi32, #tpu.memory_space<vmem>>, vector<512x1xi32>
    tpu.vector_store %arg5[%swap3A, %swap3A_24], %broadcast_in_dim3A_23 {strides = array<i32>} : memref<512x1xi32, #tpu.memory_space<vmem>>, vector<512x1xi32>,
    %get3A_26 = arith.constant 0 : index
    %get3A_27 = arith.constant 0 : index
    %get3A_28 = memref.load %arg7[%get3A_26, %get3A_27] : memref<1x1xf32, #tpu.memory_space<smem>>
    %reduce_sum3A = vector.shape_cast %broadcast_in_dim3A : vector<512x1xf32> to vector<1x512x1xf32>
    %reduce_sum3A_29 = arith.constant dense<0.000000e+00> : vector<1xf32>
    %reduce_sum3A_30 = vector.multi_reduction <add>, %reduce_sum3A, %reduce_sum3A_29 [1, 2] : vector<1x512x1xf32> to vector<1xf32>
    %reduce_sum3A_31 = vector.shape_cast %reduce_sum3A_30 : vector<1xf32> to vector<1x1x1xf32>
    %reduce_sum3A_32 = vector.extract %reduce_sum3A_31[0, 0, 0] : f32 from vector<1x1x1xf32>
    %add3A_33 = arith.addf %get3A_28, %reduce_sum3A_32 : f32
    %swap3A_34 = arith.constant 0 : index
    %swap3A_35 = arith.constant 0 : index
    %swap3A_36 = memref.load %arg7[%swap3A_34, %swap3A_35] : memref<1x1xf32, #tpu.memory_space<smem>>
    memref.store %add3A_33, %arg7[%swap3A_34, %swap3A_35] : memref<1x1xf32, #tpu.memory_space<smem>>
    %eq3A_37 = arith.constant 15 : i32
    %eq3A_38 = arith.cmpi eq, %arg0, %eq3A_37 : i32
    %convert_element_type3A_39 = arith.extui %eq3A_38 : i1 to i32
    %cond3A_40 = arith.constant 0 : i32
    %cond3A_41 = arith.cmpi ne, %convert_element_type3A_39, %cond3A_40 : i32
    scf.if %cond3A_41 {
      %get3A_42 = arith.constant 0 : index
      %get3A_43 = arith.constant 0 : index
      %get3A_44 = memref.load %arg7[%get3A_42, %get3A_43] : memref<1x1xf32, #tpu.memory_space<smem>>
      %broadcast_in_dim3A_45 = vector.broadcast %get3A_44 : f32 to vector<1x1xf32>
      %swap3A_46 = arith.constant 0 : index
      %swap3A_47 = arith.constant 0 : index
      %swap3A_48 = vector.load %arg6[%swap3A_46, %swap3A_47] : memref<1x1xf32, #tpu.memory_space<vmem>>, vector<1x1xf32>
      tpu.vector_store %arg6[%swap3A_46, %swap3A_47], %broadcast_in_dim3A_45 {strides = array<i32>} : memref<1x1xf32, #tpu.memory_space<vmem>>, vector<1x1xf32>,
    } else {
    }
    return
  }
  func.func @transform_0(%arg0: i32) -> (i32, i32) {
    %c0_i32 = arith.constant 0 : i32
    %c0_i32_0 = arith.constant 0 : i32
    return %arg0, %c0_i32 : i32, i32
  }
  func.func @transform_1(%arg0: i32) -> (i32, i32) {
    %c0_i32 = arith.constant 0 : i32
    %c0_i32_0 = arith.constant 0 : i32
    %c0_i32_1 = arith.constant 0 : i32
    return %c0_i32, %c0_i32_0 : i32, i32
  }
  func.func @transform_2(%arg0: i32) -> (i32, i32) {
    %c0_i32 = arith.constant 0 : i32
    %c0_i32_0 = arith.constant 0 : i32
    return %arg0, %c0_i32 : i32, i32
  }
  func.func @transform_3(%arg0: i32) -> (i32, i32) {
    %c0_i32 = arith.constant 0 : i32
    %c0_i32_0 = arith.constant 0 : i32
    %c0_i32_1 = arith.constant 0 : i32
    return %c0_i32, %c0_i32_0 : i32, i32
  }
  func.func @transform_4(%arg0: i32) -> (i32, i32) {
    %c0_i32 = arith.constant 0 : i32
    %c0_i32_0 = arith.constant 0 : i32
    return %arg0, %c0_i32 : i32, i32
  }
  func.func @transform_5(%arg0: i32) -> (i32, i32) {
    %c0_i32 = arith.constant 0 : i32
    %c0_i32_0 = arith.constant 0 : i32
    %c0_i32_1 = arith.constant 0 : i32
    return %c0_i32, %c0_i32_0 : i32, i32
  }
}

module attributes {stable_mosaic.version = 14 : i64} {
  func.func @_uniq_body(%arg0: memref<1x8192xi32, #tpu.memory_space<vmem>>, %arg1: memref<1x1xi32, #tpu.memory_space<vmem>>) attributes {dimension_semantics = [], scalar_prefetch = 0 : i64, scratch_operands = 0 : i64, tpu.core_type = #tpu.core_type<tc>} {
    %get3A = arith.constant 0 : index
    %get3A_0 = arith.constant 0 : index
    %get3A_1 = vector.load %arg0[%get3A, %get3A_0] : memref<1x8192xi32, #tpu.memory_space<vmem>>, vector<1x8192xi32>
    %min3A = arith.constant 1 : i32
    %min3A_2 = vector.broadcast %min3A : i32 to vector<1x8192xi32>
    %min3A_3 = arith.minsi %get3A_1, %min3A_2 : vector<1x8192xi32>
    %reduce_sum3A = vector.shape_cast %min3A_3 : vector<1x8192xi32> to vector<1x1x8192xi32>
    %reduce_sum3A_4 = arith.constant dense<0> : vector<1xi32>
    %reduce_sum3A_5 = vector.multi_reduction <add>, %reduce_sum3A, %reduce_sum3A_4 [1, 2] : vector<1x1x8192xi32> to vector<1xi32>
    %reduce_sum3A_6 = vector.shape_cast %reduce_sum3A_5 : vector<1xi32> to vector<1x1x1xi32>
    %reduce_sum3A_7 = vector.extract %reduce_sum3A_6[0, 0, 0] : i32 from vector<1x1x1xi32>
    %broadcast_in_dim3A = vector.broadcast %reduce_sum3A_7 : i32 to vector<1x1xi32>
    %swap3A = arith.constant 0 : index
    %swap3A_8 = arith.constant 0 : index
    %swap3A_9 = vector.load %arg1[%swap3A, %swap3A_8] : memref<1x1xi32, #tpu.memory_space<vmem>>, vector<1x1xi32>
    tpu.vector_store %arg1[%swap3A, %swap3A_8], %broadcast_in_dim3A {strides = array<i32>} : memref<1x1xi32, #tpu.memory_space<vmem>>, vector<1x1xi32>,
    return
  }
}

</mosaic_0001>

<sc_bundles>
// kernel: kernel.5.cloned.1.call-start
scs
__scs_entry_jumppad:
0x0: {  	(pc) =	sbr.rel $0x88, $3  }
0x1: {  	(tag) =	ssettag $0x0;
	lr =	simm.s32 $0x1  }
0x2: {  	[smem:$0x3F9F] =	sst lr;
	_ =	strace $0xD0000000  }
0x3: {  	_ = 	snop  }
0x4: {  	_ = 	snop  }
0x5: {  	_ = 	snop  }
0x6: {  	_ = 	snop  }
0x7: {  	_ = 	snop  }
__scs_overlays_trampoline_lowered:
0x8: {  	[smem:$0x3FAE] =	sst s0  }
0x9: {  	[smem:$0x3FAF] =	sst s1  }
0xa: {  	[smem:$0x3FB0] =	sst s2  }
0xb: {  	[smem:$0x3FB1] =	sst s3  }
0xc: {  	[smem:$0x3FB2] =	sst s4  }
0xd: {  	[smem:$0x3FB3] =	sst s5  }
0xe: {  	[smem:$0x3FB4] =	sst s6  }
0xf: {  	[smem:$0x3FB5] =	sst s7  }
0x10: {  	[smem:$0x3FB6] =	sst s8  }
0x11: {  	[smem:$0x3FB7] =	sst s9;
	s0 =	simm.s32 @!p0 $0x0  }
0x12: {  	s1 =	sld [smem:$0x3F9D];
	s0 =	simm.s32 @p0 $0x1  }
0x13: {  	[smem:$0x3FB8] =	sst s0;
	s0 =	simm.s32 @!p1 $0x0  }
0x14: {  	s2 =	sld [smem:$0x3F9C];
	s0 =	simm.s32 @p1 $0x1  }
0x15: {  	[smem:$0x3FB9] =	sst s0;
	s0 =	simm.s32 @!p2 $0x0  }
0x16: {  	s3 =	sld [smem:$0x3FDB];
	s0 =	simm.s32 @p2 $0x1  }
0x17: {  	s4 =	simm.s32 $0x1BF5;
	[smem:$0x3FBB] =	sst s0  }
0x18: {  	s0 =	sld [smem:$0x3F9E];
	_ =	swait.ge [sflag:s4], $0x0  }
0x19: {  	s7 =	sld [smem:$0x3F9F]  }
0x1a: {  	s8 =	sadd.s32 $0xFFFFE003, lr  }
0x1b: {  	s9 =	sadd.s32 $0xFFFFFEF7, lr;
	s5 =	simm.s32 $0xFFFFFFFF;
	p2 =	slt.u32 s8, $0xFFFFF086  }
0x1c: {  	p1 =	slt.u32 s9, $0xF7A;
	s5 =	simm.s32 @!p2 $0x0  }
0x1d: {  	s5 =	simm.s32 @p1 $0x1;
	p0 =	seq.s32 s7, s2  }
0x1e: {  	s7 =	smul.u32 @!p0 $0xF7A, s2;
	p2 =	seq.s32 @!p0 s5, $0x0  }
0x1f: {  	s9 =	smul.u32 $0xF7A, s1;
	s8 =	simm.s32 @!p0 $0x1BF5;
	p2 =	por !p2, p0  }
0x20: {  	[sflag:s8] =	ssyncset.s32 @!p0 $0xFFFFF086;
	s6 =	sadd.s32 @!p0 s3, s7;
	s7 =	simm.s32 @!p0 $0x108  }
0x21: {  	s3 =	sadd.s32 s3, s9;
	s6 =	sadd.s32 @!p0 $0x88, s6;
	s7 =	simm.s32 @p2 $0x1082  }
0x22: {  	[simem:s7], [sflag:s8] =	dma.local @!p0 [hbm:s6], $0xF7A  }
0x23: {  	s9 =	sor.u32 $0xD0000000, s2;
	s6 =	simm.s32 $0x108;
	_ =	swait.ge @!p0 [sflag:s8], $0x0  }
0x24: {  	s3 =	sadd.s32 $0x88, s3;
	s6 =	simm.s32 @!p1 $0x1082;
	[sflag:s4] =	ssyncset.s32 $0xFFFFF086  }
0x25: {  	[simem:s6], [sflag:s4] =	dma.local [hbm:s3], $0xF7A  }
0x26: {  	[smem:$0x3F9F] =	sst s1;
	(tag) =	ssettag s2;
	_ =	strace s9  }
0x27: {  	s1 =	sld [smem:$0x3FAF]  }
0x28: {  	s2 =	sld [smem:$0x3FB0]  }
0x29: {  	s4 =	sld [smem:$0x3FB2]  }
0x2a: {  	p0 =	seq.s32 s5, $0x0;
	s5 =	sld [smem:$0x3FB3]  }
0x2b: {  	s6 =	sld [smem:$0x3FB4]  }
0x2c: {  	s7 =	sld [smem:$0x3FB5]  }
0x2d: {  	s3 =	simm.s32 $0x108;
	s8 =	sld [smem:$0x3FB6]  }
0x2e: {  	s3 =	simm.s32 @!p0 $0x1082;
	s9 =	sld [smem:$0x3FB7]  }
0x2f: {  	lr =	sadd.s32 s0, s3;
	s0 =	sld [smem:$0x3FAE]  }
0x30: {  	s3 =	sld [smem:$0x3FB1]  }
0x31: {  	[smem:$0x3FBA] =	sst s10  }
0x32: {  	s10 =	sld [smem:$0x3FB8];
	_ =	sdelay $0x3  }
0x33: {  	p0 =	seq.s32 s10, $0x1;
	s10 =	sld [smem:$0x3FBA];
	_ =	sdelay $0x3  }
0x34: {  	[smem:$0x3FBA] =	sst s10  }
0x35: {  	s10 =	sld [smem:$0x3FB9];
	_ =	sdelay $0x3  }
0x36: {  	p1 =	seq.s32 s10, $0x1;
	s10 =	sld [smem:$0x3FBA];
	_ =	sdelay $0x3  }
0x37: {  	[smem:$0x3FBA] =	sst s10  }
0x38: {  	s10 =	sld [smem:$0x3FBB]  }
0x39: {  	_ = 	snop;
	(pc) =	sbr.ind lr, $3  }
0x3a: {  	_ = 	snop  }
0x3b: {  	_ = 	snop  }
0x3c: {  	p2 =	seq.s32 s10, $0x1;
	s10 =	sld [smem:$0x3FBA]  }
0x3d: {  	_ =	shalt  }
0x3e: {  	_ =	shalt  }
0x3f: {  	_ =	shalt  }
0x40: {  	_ =	shalt  }
0x41: {  	_ =	shalt  }
0x42: {  	_ =	shalt  }
0x43: {  	_ =	shalt  }
0x44: {  	_ =	shalt  }
0x45: {  	_ =	shalt  }
0x46: {  	_ =	shalt  }
0x47: {  	_ =	shalt  }
0x48: {  	_ =	shalt  }
0x49: {  	_ =	shalt  }
0x4a: {  	_ =	shalt  }
0x4b: {  	_ =	shalt  }
0x4c: {  	_ =	shalt  }
0x4d: {  	_ =	shalt  }
0x4e: {  	_ =	shalt  }
0x4f: {  	_ =	shalt  }
0x50: {  	_ =	shalt  }
0x51: {  	_ =	shalt  }
0x52: {  	_ =	shalt  }
0x53: {  	_ =	shalt  }
0x54: {  	_ =	shalt  }
0x55: {  	_ =	shalt  }
0x56: {  	_ =	shalt  }
0x57: {  	_ =	shalt  }
0x58: {  	_ =	shalt  }
0x59: {  	_ =	shalt  }
0x5a: {  	_ =	shalt  }
0x5b: {  	_ =	shalt  }
0x5c: {  	_ =	shalt  }
0x5d: {  	_ =	shalt  }
0x5e: {  	_ =	shalt  }
0x5f: {  	_ =	shalt  }
0x60: {  	_ =	shalt  }
0x61: {  	_ =	shalt  }
0x62: {  	_ =	shalt  }
0x63: {  	_ =	shalt  }
0x64: {  	_ =	shalt  }
0x65: {  	_ =	shalt  }
0x66: {  	_ =	shalt  }
0x67: {  	_ =	shalt  }
0x68: {  	_ =	shalt  }
0x69: {  	_ =	shalt  }
0x6a: {  	_ =	shalt  }
0x6b: {  	_ =	shalt  }
0x6c: {  	_ =	shalt  }
0x6d: {  	_ =	shalt  }
0x6e: {  	_ =	shalt  }
0x6f: {  	_ =	shalt  }
0x70: {  	_ =	shalt  }
0x71: {  	_ =	shalt  }
0x72: {  	_ =	shalt  }
0x73: {  	_ =	shalt  }
0x74: {  	_ =	shalt  }
0x75: {  	_ =	shalt  }
0x76: {  	_ =	shalt  }
0x77: {  	_ =	shalt  }
0x78: {  	_ =	shalt  }
0x79: {  	_ =	shalt  }
0x7a: {  	_ =	shalt  }
0x7b: {  	_ =	shalt  }
0x7c: {  	_ =	shalt  }
0x7d: {  	_ =	shalt  }
0x7e: {  	_ =	shalt  }
0x7f: {  	_ =	shalt  }
0x80: {  	_ =	shalt  }
0x81: {  	_ =	shalt  }
0x82: {  	_ =	shalt  }
0x83: {  	_ =	shalt  }
0x84: {  	_ =	shalt  }
0x85: {  	_ =	shalt  }
0x86: {  	_ =	shalt  }
0x87: {  	_ =	shalt  }
.Lfunc_end0:
.L_simem_size_0:
called_computation_lowered:
.L_overlay_start_0:
0x88: {  	s2 =	sld [smem:$0x3FD9]  }
0x89: {  	s3 =	sld [smem:$0x3FFE];
	_ =	sdelay $0x1  }
0x8a: {  	s1 =	srdreg.scid  }
0x8b: {  	s0 =	sand.u32 $0x1, s1  }
0x8c: {  	s14 =	sshll.u32 s0, $0xA;
	s2 =	sadd.s32 s3, s2  }
0x8d: {  	s2 =	sadd.s32 s2, s14  }
0x8e: {  	[smem:$0x3FC6] =	sst s2  }
0x8f: {  	_ = 	snop  }
0x90: {  	s2 =	sld [smem:$0x3FD0];
	_ =	sdelay $0x2  }
0x91: {  	s4 =	simm.s32 $0xA;
	s5 =	simm.s32 $0x10;
	s15 =	sld [smem:$0x3FC8]  }
0x92: {  	[smem:s5], [sflag:s4] =	dma.local [hbm:s2], $0x1  }
0x93: {  	_ =	swait.eq [sflag:s4], $0x1  }
0x94: {  	[sflag:s4] =	ssyncset.done $0x0  }
0x95: {  	s16 =	sld [smem:$0x10];
	[sflag:s4] =	ssyncadd.s32 $0xFFFFFFFF  }
0x96: {  	s17 =	sld [smem:$0x13];
	(tm) =	ssettm $0x1  }
0x97: {  	s18 =	sld [smem:$0x3FFB];
	_ =	sdelay $0x3  }
0x98: {  	_ =	strace s18  }
0x99: {  	s5 =	sld [smem:$0x3FFC];
	_ =	sdelay $0x3  }
0x9a: {  	_ =	strace s5  }
0x9b: {  	s5 =	sld [smem:$0x3FFD];
	_ =	sdelay $0x3  }
0x9c: {  	_ =	strace s5  }
0x9d: {  	_ =	strace $0x8FFFFFFF  }
0x9e: {  	s19 =	sld [smem:$0x3FDB];
	_ =	sdelay $0x1  }
0x9f: {  	s6 =	simm.s32 $_scs_section_size  }
0xa0: {  	s7 =	simm.s32 $_size__tile_overlayer_lowered;
	s8 =	simm.s32 $_tile_overlayer_lowered  }
0xa1: {  	s22 =	simm.s32 $0x1BFF;
	s21 =	sshll.u32 s8, $0x1;
	s5 =	sadd.s32 s6, s19  }
0xa2: {  	s9 =	simm.s32 $0x0;
	s20 =	sshll.u32 s7, $0x1;
	s7 =	sadd.s32 s21, s5  }
0xa3: {  	[timem:s9], [sflag:s22] =	dma.local [hbm:s7], s20  }
0xa4: {  	_ =	swait.ge [sflag:s22], s20  }
0xa5: {  	s6 =	ssub.s32 $0x0, s20;
	[sflag:s22] =	ssyncset.done $0x0  }
0xa6: {  	[sflag:s22] =	ssyncadd.s32 s6;
	_ =	sdelay $0x1  }
0xa7: {  	s23 =	simm.s32 $0x1B8B  }
0xa8: {  	_ =	swait.ge [sflag:s23], $0x1  }
0xa9: {  	[sflag:s23] =	ssyncset.done $0x0  }
0xaa: {  	s25 =	simm.s32 $0x1B8E;
	s24 =	sld [smem:$0x3FFE];
	[sflag:s23] =	ssyncadd.s32 $0xFFFFFFFF  }
0xab: {  	s26 =	simm.s32 $execute0_lowered;
	[smem:$0x3FD2] =	sst s25  }
0xac: {  	s7 =	sshll.u32 s26, $0x1;
	_ =	strace $0x80000046;
	[dreg:$0x1] =	wrdreg $0xFFFFFFFF  }
0xad: {  	s28 =	simm.s32 $_size_execute0_lowered;
	s5 =	sadd.s32 s5, s7;
	[dreg:$0x0] =	wrdreg $0x0  }
0xae: {  	s7 =	sshll.u32 s28, $0x1;
	[dreg:$0x2] =	wrdreg s5  }
0xaf: {  	[dreg:$0x3] =	wrdreg s7  }
0xb0: {  	[dreg:$0x4] =	wrdreg $0xC0  }
0xb1: {  	_ =	task [dreg:s9], $0x5FFFF  }
0xb2: {  	[dreg:$0x1] =	wrdreg $0xFFFFFFFF  }
0xb3: {  	[dreg:$0x0] =	wrdreg $0x60  }
0xb4: {  	[dreg:$0x2] =	wrdreg s15  }
0xb5: {  	[dreg:$0x3] =	wrdreg s17  }
0xb6: {  	[dreg:$0x4] =	wrdreg s16  }
0xb7: {  	[dreg:$0x5] =	wrdreg s24  }
0xb8: {  	[dreg:$0x6] =	wrdreg $0x105800  }
0xb9: {  	[dreg:$0x7] =	wrdreg $0x9  }
0xba: {  	_ =	task.clear_ibuf [dreg:s9], $0x8FFFF;
	_ =	strace $0x90000046  }
0xbb: {  	s29 =	simm.s32 $0x9;
	_ =	strace $0x80000048  }
0xbc: {  	_ =	swait.ge [sflag:s29], $0x1  }
0xbd: {  	[sflag:s29] =	ssyncadd.s32 $0xFFFFFFFF  }
0xbe: {  	_ =	strace $0x90000048  }
0xbf: {  	_ =	sfence  }
0xc0: {  	s30 =	sld [smem:$0x0];
	_ =	sdelay $0x2  }
0xc1: {  	s31 =	sshll.u32 s1, $0xD;
	s1 =	sshrl.u32 s1, $0x2  }
0xc2: {  	s3 =	sand.u32 $0x4000, s31;
	s1 =	sadd.s32 s1, s30  }
0xc3: {  	s0 =	sor.u32 s3, s0;
	s1 =	sshll.u32 s1, $0x11  }
0xc4: {  	s0 =	sor.u32 s1, s0  }
0xc5: {  	s0 =	sadd.s32 $0x8F2B, s0  }
0xc6: {  	[sflag:s0] =	ssyncadd.remote.s32 $0x1  }
0xc7: {  	_ =	sfence.sel $0xFFFF  }
0xc8: {  	[dreg:$0x0] =	wrdreg $0xFFFFFFFF;
	(pc) =	sbr.abs _section_cstart, $3  }
0xc9: {  	[dreg:$0x1] =	wrdreg $0xFFFFFFFF  }
0xca: {  	_ =	task.clear_ibuf [dreg:s9], $0x2FFFF;
	_ =	strace $0x9FFFFFFF  }
0xcb: {  	(tm) =	ssettm $0x7FFFFFFF  }
tec
execute0_lowered:
.L_overlay_start_1:
0x0: {  	(tag) =	ssettag $0x1  }
0x1: {  	s1 =	rddreg [dreg:$0x0]  }
0x2: {  	s0 =	rddreg [dreg:$0x1]  }
0x3: {  	s2 =	rddreg [dreg:$0x2]  }
0x4: {  	s6 =	rddreg [dreg:$0x3]  }
0x5: {  	s3 =	rddreg [dreg:$0x4];
	s4 =	simm.s32 $0x0;
	s8 =	stileid.u32  }
0x6: {  	s7 =	srdreg.scid;
	s16 =	simm.s32 $0x3;
	s17 =	simm.s32 $0x80  }
0x7: {  	s18 =	simm.s32 $0x100;
	s28 =	simm.s32 $0xD900;
	s29 =	simm.s32 $0xE100  }
0x8: {  	s30 =	simm.s32 $0xE900;
	s31 =	simm.s32 $0xF100;
	[smem:$0x7FF] =	sst s4  }
0x9: {  	s5 =	sshll.u32 s8, $0x6;
	s10 =	sand.u32 $0x1, s7;
	s9 =	sshll.u32 s8, $0x9  }
0xa: {  	s14 =	sadd.s32 $0x10, s0;
	_ =	strace $0x80000047;
	s7 =	ssub.s32 $0x2, s10  }
0xb: {  	s19 =	sshll.u32 s10, $0x8;
	s11 =	sadd.s32 s5, s6;
	s8 =	sadd.s32 s0, s5  }
0xc: {  	s22 =	sadd.s32 s5, s14;
	p0 =	seq.s32 s10, $0x0;
	s10 =	simm.s32 $0x10180  }
0xd: {  	s20 =	sshrl.u32 s7, $0x1;
	s12 =	sor.u32 s19, s9;
	s9 =	sadd.s32 s9, s3  }
0xe: {  	[dreg:$0x6] =	wrdreg s22;
	s23 =	sadd.s32 $0x20, s8;
	s24 =	sadd.s32 $0x30, s8  }
0xf: {  	s25 =	sadd.s32 $0x600, s11;
	s22 =	simm.s32 $0x1100;
	[dreg:$0x7] =	wrdreg s23  }
0x10: {  	s19 =	simm.s32 $0x10200;
	s11 =	simm.s32 $0x10280;
	[dreg:$0x8] =	wrdreg s24  }
0x11: {  	s13 =	ssub.s32 s7, s20;
	s21 =	sshrl.u32 s12, $0x3;
	[dreg:$0x9] =	wrdreg s25  }
.Ltmp0:
0x12: {  	s26 =	sshll.u32 s12, $0x5;
	s23 =	simm.s32 $0x1900;
	(pc) =	sbr.rel .LBB2_1-.Ltmp0, $4  }
0x13: {  	s25 =	simm.s32 $0xC900;
	s20 =	simm.s32 $0x10300;
	s12 =	simm.s32 $0x2  }
0x14: {  	v2 =	vlaneseq.u32;
	vm0 =	vmmov $0xffff;
	s6 =	sadd.s32 s0, s21;
	s7 =	sadd.s32 s21, s14;
	s14 =	sadd.s32 s2, s26  }
0x15: {  	v3 =	vimm.s32 $0x0;
	v4 =	vimm.s32 $0x1;
	v1 =	vshrl.u32 v2, $0x3;
	s15 =	smax.u32 s13, $0x1;
	s13 =	simm.s32 $0x900;
	s26 =	simm.s32 $0xD100  }
0x16: {  	v0 =	vand.u32 $0x7, v2;
	v2 =	vor.u32 $0x8, v2;
	v1 =	vmul.u32 $0x8, v1;
	s0 =	simm.s32 $0xF900;
	s2 =	simm.s32 $0x10100;
	s21 =	simm.s32 $0x1  }
.LBB2_3:
0x17: {  	[tilespmem:$0x10380] =	vst v3  }
0x18: {  	[tilespmem:$0x10390] =	vst v3  }
0x19: {  	[tilespmem:$0x103A0] =	vst v3  }
0x1a: {  	[tilespmem:$0x103B0] =	vst v3  }
0x1b: {  	[tilespmem:$0x103C0] =	vst v3  }
0x1c: {  	[tilespmem:$0x103D0] =	vst v3  }
0x1d: {  	[tilespmem:$0x103E0] =	vst v3  }
0x1e: {  	[tilespmem:$0x103F0] =	vst v3  }
0x1f: {  	[tilespmem:$0x10400] =	vst v3  }
0x20: {  	[tilespmem:$0x10410] =	vst v3  }
0x21: {  	[tilespmem:$0x10420] =	vst v3  }
0x22: {  	[tilespmem:$0x10430] =	vst v3  }
0x23: {  	[tilespmem:$0x10440] =	vst v3  }
0x24: {  	[tilespmem:$0x10450] =	vst v3  }
0x25: {  	[tilespmem:$0x10460] =	vst v3  }
0x26: {  	[tilespmem:$0x10470] =	vst v3  }
0x27: {  	[tilespmem:$0x10480] =	vst v3  }
0x28: {  	[tilespmem:$0x10490] =	vst v3  }
0x29: {  	[tilespmem:$0x104A0] =	vst v3  }
0x2a: {  	[tilespmem:$0x104B0] =	vst v3  }
0x2b: {  	[tilespmem:$0x104C0] =	vst v3  }
0x2c: {  	[tilespmem:$0x104D0] =	vst v3  }
0x2d: {  	[tilespmem:$0x104E0] =	vst v3  }
0x2e: {  	[tilespmem:$0x104F0] =	vst v3  }
0x2f: {  	[tilespmem:$0x10500] =	vst v3  }
0x30: {  	[tilespmem:$0x10510] =	vst v3  }
0x31: {  	[tilespmem:$0x10520] =	vst v3  }
0x32: {  	[tilespmem:$0x10530] =	vst v3  }
0x33: {  	[tilespmem:$0x10540] =	vst v3  }
0x34: {  	[tilespmem:$0x10550] =	vst v3  }
0x35: {  	[tilespmem:$0x10560] =	vst v3  }
0x36: {  	[tilespmem:$0x10570] =	vst v3;
	s13 =	simm.s32 $0x10380  }
0x37: {  	[spmem:s9] =	stream.linear.scatter [tilespmem:s13], [sflag:$0x3], $0x200, $0x38;
	[tilespmem:$0x10780] =	vst v63  }
0x38: {  	_ =	swait.ge [sflag:s16], $0x200  }
0x39: {  	[sflag:s16] =	ssyncset.done $0x0  }
0x3a: {  	[sflag:s16] =	ssyncadd.s32 $0xFFFFFE00  }
0x3b: {  	[tilespmem:s2], [sflag:$0x3] =	stream.linear.gather [hbm4b:s8+s4], $0x80, $0x38;
	[tilespmem:$0x10780] =	vst v63  }
0x3c: {  	_ =	swait.ge [sflag:s16], $0x80  }
0x3d: {  	[sflag:s16] =	ssyncset.done $0x0  }
0x3e: {  	s24 =	rddreg [dreg:$0x6];
	[sflag:s16] =	ssyncadd.s32 $0xFFFFFF80  }
0x3f: {  	[tilespmem:s10], [sflag:$0x3] =	stream.linear.gather [hbm4b:s24+s4], $0x80, $0x38;
	[tilespmem:$0x10780] =	vst v63  }
0x40: {  	_ =	swait.ge [sflag:s16], $0x80  }
0x41: {  	[sflag:s16] =	ssyncset.done $0x0  }
0x42: {  	s22 =	rddreg [dreg:$0x7];
	[sflag:s16] =	ssyncadd.s32 $0xFFFFFF80  }
0x43: {  	[tilespmem:s19], [sflag:$0x3] =	stream.linear.gather [hbm4b:s22+s4], $0x80, $0x38;
	[tilespmem:$0x10780] =	vst v63  }
0x44: {  	_ =	swait.ge [sflag:s16], $0x80  }
0x45: {  	[sflag:s16] =	ssyncset.done $0x0  }
0x46: {  	s23 =	rddreg [dreg:$0x8];
	[sflag:s16] =	ssyncadd.s32 $0xFFFFFF80  }
0x47: {  	[tilespmem:s11], [sflag:$0x3] =	stream.linear.gather [hbm4b:s23+s4], $0x80, $0x38;
	[tilespmem:$0x10780] =	vst v63  }
0x48: {  	_ =	swait.ge [sflag:s16], $0x80  }
0x49: {  	[sflag:s16] =	ssyncset.done $0x0  }
0x4a: {  	[sflag:s16] =	ssyncadd.s32 $0xFFFFFF80  }
0x4b: {  	[tilespmem:$0x10300] =	vst v4  }
0x4c: {  	[tilespmem:$0x10310] =	vst v4  }
0x4d: {  	[tilespmem:$0x10320] =	vst v4  }
0x4e: {  	[tilespmem:$0x10330] =	vst v4  }
0x4f: {  	[tilespmem:$0x10340] =	vst v4  }
0x50: {  	[tilespmem:$0x10350] =	vst v4  }
0x51: {  	[tilespmem:$0x10360] =	vst v4  }
0x52: {  	[tilespmem:$0x10370] =	vst v4  }
0x53: {  	[bflag:$0x0] =	sbarrier.arrive $0xFFFF  }
0x54: {  	[spmem:s3] =	stream.indirect.scatter.add.s32 [tilespmem:s20], [sflag:$0x2], $0x1, s2, s17, $0xb8;
	[tilespmem:$0x10780] =	vst v63  }
0x55: {  	_ = 	snop  }
0x56: {  	[spmem:s3] =	stream.indirect.scatter.add.s32 [tilespmem:s20], [sflag:$0x2], $0x1, s10, s17, $0xb8;
	[tilespmem:$0x10780] =	vst v63  }
0x57: {  	_ = 	snop  }
0x58: {  	[spmem:s3] =	stream.indirect.scatter.add.s32 [tilespmem:s20], [sflag:$0x2], $0x1, s19, s17, $0xb8;
	[tilespmem:$0x10780] =	vst v63  }
0x59: {  	_ = 	snop  }
0x5a: {  	[spmem:s3] =	stream.indirect.scatter.add.s32 [tilespmem:s20], [sflag:$0x2], $0x1, s11, s17, $0xb8;
	[tilespmem:$0x10780] =	vst v63  }
0x5b: {  	_ =	swait.ge [sflag:s12], $0x80  }
0x5c: {  	[sflag:s12] =	ssyncset.done $0x0  }
0x5d: {  	[sflag:s12] =	ssyncadd.s32 $0xFFFFFF80  }
0x5e: {  	_ =	swait.ge [sflag:s12], $0x80  }
0x5f: {  	[sflag:s12] =	ssyncset.done $0x0  }
0x60: {  	[sflag:s12] =	ssyncadd.s32 $0xFFFFFF80  }
0x61: {  	_ =	swait.ge [sflag:s12], $0x80  }
0x62: {  	[sflag:s12] =	ssyncset.done $0x0  }
0x63: {  	[sflag:s12] =	ssyncadd.s32 $0xFFFFFF80  }
0x64: {  	_ =	swait.ge [sflag:s12], $0x80  }
0x65: {  	[sflag:s12] =	ssyncset.done $0x0  }
0x66: {  	[sflag:s12] =	ssyncadd.s32 $0xFFFFFF80  }
0x67: {  	[bflag:$0x0] =	sbarrier.arrive $0xFFFF  }
0x68: {  	s24 =	sor.u32 $0x1C03, s5;
	s22 =	sshrl.u32 s9, $0x3;
	s23 =	rddreg [dreg:$0x9]  }
0x69: {  	[hbm:s23], [sflag:s24] =	dma.local [spmem:s22], $0x40  }
0x6a: {  	_ =	swait.ge [sflag:s16], $0x40  }
0x6b: {  	s13 =	simm.s32 $0x900;
	[sflag:s16] =	ssyncset.done $0x0  }
0x6c: {  	s23 =	simm.s32 $0x1900;
	s22 =	simm.s32 $0x1100;
	[sflag:s16] =	ssyncadd.s32 $0xFFFFFFC0  }
.LBB2_4:
0x6d: {  	_ =	swait.ge [sflag:s21], $0x8000  }
0x6e: {  	[sflag:s21] =	ssyncset.done $0x0  }
0x6f: {  	[sflag:s21] =	ssyncadd.s32 $0xFFFF8000  }
0x70: {  	s15 =	sadd.s32 $0xFFFFFFFF, s15;
	_ =	swait.ge [sflag:s21], $0x8000  }
0x71: {  	p1 =	sne.s32 s15, $0x0;
	[sflag:s21] =	ssyncset.done $0x0  }
.Ltmp1:
0x72: {  	[sflag:s21] =	ssyncadd.s32 $0xFFFF8000;
	(pc) =	sbr.rel @!p1 .LBB2_5-.Ltmp1, $4  }
0x73: {  	[hbm4b:s14+s4] =	stream.linear.scatter [tilespmem:s18], [sflag:$0x3], $0x10000, $0x38;
	[tilespmem:$0x10780] =	vst v63  }
0x74: {  	_ =	swait.ge [sflag:s16], $0x10000  }
0x75: {  	[sflag:s16] =	ssyncset.done $0x0  }
0x76: {  	[sflag:s16] =	ssyncadd.s32 $0xFFFF0000  }
.LBB2_1:
0x77: {  	[tilespmem:s4], [sflag:$0x3] =	stream.linear.gather [hbm4b:s6+s4], $0x80, $0x38;
	[tilespmem:$0x10780] =	vst v63  }
0x78: {  	_ =	swait.ge [sflag:s16], $0x80  }
0x79: {  	[sflag:s16] =	ssyncset.done $0x0  }
0x7a: {  	[sflag:s16] =	ssyncadd.s32 $0xFFFFFF80  }
0x7b: {  	[tilespmem:s17], [sflag:$0x3] =	stream.linear.gather [hbm4b:s7+s4], $0x80, $0x38;
	[tilespmem:$0x10780] =	vst v63  }
0x7c: {  	_ =	swait.ge [sflag:s16], $0x80  }
0x7d: {  	[sflag:s16] =	ssyncset.done $0x0  }
0x7e: {  	[sflag:s16] =	ssyncadd.s32 $0xFFFFFF80  }
0x7f: {  	v5 =	vld [tilespmem:$0x0];
	_ =	sdelay $0x4  }
0x80: {  	v6 =	vshll.u32 v5, $0x1  }
0x81: {  	v5 =	vand.u32 $0x7, v5;
	v6 =	vand.u32 $0xFFFFFFF0, v6  }
0x82: {  	v5 =	vor.u32 v5, v6  }
0x83: {  	v6 =	vperm.xlane v5, v0;
	_ =	sdelay $0x1  }
0x84: {  	v5 =	vperm.xlane v5, v2;
	v6 =	vadd.s32 v1, v6;
	_ =	sdelay $0x1  }
0x85: {  	v5 =	vadd.s32 v1, v5;
	_ =	sdelay $0x2  }
0x86: {  	[tilespmem:s18], [sflag:$0x1] =	stream.indirect_vreg.gather [hbm4b:s1+s4], $0x80, v6, vm0, $0xb8;
	[tilespmem:$0x10780] =	vst v63  }
0x87: {  	_ = 	snop  }
0x88: {  	[tilespmem:s13], [sflag:$0x1] =	stream.indirect_vreg.gather [hbm4b:s1+s4], $0x80, v5, vm0, $0xb8;
	[tilespmem:$0x10780] =	vst v63  }
0x89: {  	v5 =	vld [tilespmem:$0x10];
	_ =	sdelay $0x4  }
0x8a: {  	v6 =	vshll.u32 v5, $0x1  }
0x8b: {  	v5 =	vand.u32 $0x7, v5;
	v6 =	vand.u32 $0xFFFFFFF0, v6  }
0x8c: {  	v5 =	vor.u32 v5, v6  }
0x8d: {  	v6 =	vperm.xlane v5, v0;
	_ =	sdelay $0x1  }
0x8e: {  	v5 =	vperm.xlane v5, v2;
	v6 =	vadd.s32 v1, v6;
	_ =	sdelay $0x1  }
0x8f: {  	v5 =	vadd.s32 v1, v5;
	_ =	sdelay $0x2  }
0x90: {  	[tilespmem:s22], [sflag:$0x1] =	stream.indirect_vreg.gather [hbm4b:s1+s4], $0x80, v6, vm0, $0xb8;
	[tilespmem:$0x10780] =	vst v63  }
0x91: {  	_ = 	snop  }
0x92: {  	[tilespmem:s23], [sflag:$0x1] =	stream.indirect_vreg.gather [hbm4b:s1+s4], $0x80, v5, vm0, $0xb8;
	[tilespmem:$0x10780] =	vst v63  }
0x93: {  	v5 =	vld [tilespmem:$0x20];
	_ =	sdelay $0x4  }
0x94: {  	v6 =	vshll.u32 v5, $0x1  }
0x95: {  	v5 =	vand.u32 $0x7, v5;
	v6 =	vand.u32 $0xFFFFFFF0, v6  }
0x96: {  	v5 =	vor.u32 v5, v6  }
0x97: {  	v6 =	vperm.xlane v5, v0;
	_ =	sdelay $0x1  }
0x98: {  	v5 =	vperm.xlane v5, v2;
	v6 =	vadd.s32 v1, v6;
	_ =	sdelay $0x1  }
0x99: {  	v5 =	vadd.s32 v1, v5;
	_ =	sdelay $0x1  }
0x9a: {  	s24 =	simm.s32 $0x2100  }
0x9b: {  	[tilespmem:s24], [sflag:$0x1] =	stream.indirect_vreg.gather [hbm4b:s1+s4], $0x80, v6, vm0, $0xb8;
	[tilespmem:$0x10780] =	vst v63  }
0x9c: {  	s24 =	simm.s32 $0x2900  }
0x9d: {  	[tilespmem:s24], [sflag:$0x1] =	stream.indirect_vreg.gather [hbm4b:s1+s4], $0x80, v5, vm0, $0xb8;
	[tilespmem:$0x10780] =	vst v63  }
0x9e: {  	v5 =	vld [tilespmem:$0x30];
	_ =	sdelay $0x4  }
0x9f: {  	v6 =	vshll.u32 v5, $0x1  }
0xa0: {  	v5 =	vand.u32 $0x7, v5;
	v6 =	vand.u32 $0xFFFFFFF0, v6  }
0xa1: {  	v5 =	vor.u32 v5, v6  }
0xa2: {  	v6 =	vperm.xlane v5, v0;
	_ =	sdelay $0x1  }
0xa3: {  	v5 =	vperm.xlane v5, v2;
	v6 =	vadd.s32 v1, v6;
	_ =	sdelay $0x1  }
0xa4: {  	v5 =	vadd.s32 v1, v5;
	_ =	sdelay $0x1  }
0xa5: {  	s24 =	simm.s32 $0x3100  }
0xa6: {  	[tilespmem:s24], [sflag:$0x1] =	stream.indirect_vreg.gather [hbm4b:s1+s4], $0x80, v6, vm0, $0xb8;
	[tilespmem:$0x10780] =	vst v63  }
0xa7: {  	s24 =	simm.s32 $0x3900  }
0xa8: {  	[tilespmem:s24], [sflag:$0x1] =	stream.indirect_vreg.gather [hbm4b:s1+s4], $0x80, v5, vm0, $0xb8;
	[tilespmem:$0x10780] =	vst v63  }
0xa9: {  	v5 =	vld [tilespmem:$0x40];
	_ =	sdelay $0x4  }
0xaa: {  	v6 =	vshll.u32 v5, $0x1  }
0xab: {  	v5 =	vand.u32 $0x7, v5;
	v6 =	vand.u32 $0xFFFFFFF0, v6  }
0xac: {  	v5 =	vor.u32 v5, v6  }
0xad: {  	v6 =	vperm.xlane v5, v0;
	_ =	sdelay $0x1  }
0xae: {  	v5 =	vperm.xlane v5, v2;
	v6 =	vadd.s32 v1, v6;
	_ =	sdelay $0x1  }
0xaf: {  	v5 =	vadd.s32 v1, v5;
	_ =	sdelay $0x1  }
0xb0: {  	s24 =	simm.s32 $0x4100  }
0xb1: {  	[tilespmem:s24], [sflag:$0x1] =	stream.indirect_vreg.gather [hbm4b:s1+s4], $0x80, v6, vm0, $0xb8;
	[tilespmem:$0x10780] =	vst v63  }
0xb2: {  	s24 =	simm.s32 $0x4900  }
0xb3: {  	[tilespmem:s24], [sflag:$0x1] =	stream.indirect_vreg.gather [hbm4b:s1+s4], $0x80, v5, vm0, $0xb8;
	[tilespmem:$0x10780] =	vst v63  }
0xb4: {  	v5 =	vld [tilespmem:$0x50];
	_ =	sdelay $0x4  }
0xb5: {  	v6 =	vshll.u32 v5, $0x1  }
0xb6: {  	v5 =	vand.u32 $0x7, v5;
	v6 =	vand.u32 $0xFFFFFFF0, v6  }
0xb7: {  	v5 =	vor.u32 v5, v6  }
0xb8: {  	v6 =	vperm.xlane v5, v0;
	_ =	sdelay $0x1  }
0xb9: {  	v5 =	vperm.xlane v5, v2;
	v6 =	vadd.s32 v1, v6;
	_ =	sdelay $0x1  }
0xba: {  	v5 =	vadd.s32 v1, v5;
	_ =	sdelay $0x1  }
0xbb: {  	s24 =	simm.s32 $0x5100  }
0xbc: {  	[tilespmem:s24], [sflag:$0x1] =	stream.indirect_vreg.gather [hbm4b:s1+s4], $0x80, v6, vm0, $0xb8;
	[tilespmem:$0x10780] =	vst v63  }
0xbd: {  	s24 =	simm.s32 $0x5900  }
0xbe: {  	[tilespmem:s24], [sflag:$0x1] =	stream.indirect_vreg.gather [hbm4b:s1+s4], $0x80, v5, vm0, $0xb8;
	[tilespmem:$0x10780] =	vst v63  }
0xbf: {  	v5 =	vld [tilespmem:$0x60];
	_ =	sdelay $0x4  }
0xc0: {  	v6 =	vshll.u32 v5, $0x1  }
0xc1: {  	v5 =	vand.u32 $0x7, v5;
	v6 =	vand.u32 $0xFFFFFFF0, v6  }
0xc2: {  	v5 =	vor.u32 v5, v6  }
0xc3: {  	v6 =	vperm.xlane v5, v0;
	_ =	sdelay $0x1  }
0xc4: {  	v5 =	vperm.xlane v5, v2;
	v6 =	vadd.s32 v1, v6;
	_ =	sdelay $0x1  }
0xc5: {  	v5 =	vadd.s32 v1, v5;
	_ =	sdelay $0x1  }
0xc6: {  	s24 =	simm.s32 $0x6100  }
0xc7: {  	[tilespmem:s24], [sflag:$0x1] =	stream.indirect_vreg.gather [hbm4b:s1+s4], $0x80, v6, vm0, $0xb8;
	[tilespmem:$0x10780] =	vst v63  }
0xc8: {  	s24 =	simm.s32 $0x6900  }
0xc9: {  	[tilespmem:s24], [sflag:$0x1] =	stream.indirect_vreg.gather [hbm4b:s1+s4], $0x80, v5, vm0, $0xb8;
	[tilespmem:$0x10780] =	vst v63  }
0xca: {  	v5 =	vld [tilespmem:$0x70];
	_ =	sdelay $0x4  }
0xcb: {  	v6 =	vshll.u32 v5, $0x1  }
0xcc: {  	v5 =	vand.u32 $0x7, v5;
	v6 =	vand.u32 $0xFFFFFFF0, v6  }
0xcd: {  	v5 =	vor.u32 v5, v6  }
0xce: {  	v6 =	vperm.xlane v5, v0;
	_ =	sdelay $0x1  }
0xcf: {  	v5 =	vperm.xlane v5, v2;
	v6 =	vadd.s32 v1, v6;
	_ =	sdelay $0x1  }
0xd0: {  	v5 =	vadd.s32 v1, v5;
	_ =	sdelay $0x1  }
0xd1: {  	s24 =	simm.s32 $0x7100  }
0xd2: {  	[tilespmem:s24], [sflag:$0x1] =	stream.indirect_vreg.gather [hbm4b:s1+s4], $0x80, v6, vm0, $0xb8;
	[tilespmem:$0x10780] =	vst v63  }
0xd3: {  	s24 =	simm.s32 $0x7900  }
0xd4: {  	[tilespmem:s24], [sflag:$0x1] =	stream.indirect_vreg.gather [hbm4b:s1+s4], $0x80, v5, vm0, $0xb8;
	[tilespmem:$0x10780] =	vst v63  }
0xd5: {  	v5 =	vld [tilespmem:$0x80];
	_ =	sdelay $0x4  }
0xd6: {  	v6 =	vshll.u32 v5, $0x1  }
0xd7: {  	v5 =	vand.u32 $0x7, v5;
	v6 =	vand.u32 $0xFFFFFFF0, v6  }
0xd8: {  	v5 =	vor.u32 v5, v6  }
0xd9: {  	v6 =	vperm.xlane v5, v0;
	_ =	sdelay $0x1  }
0xda: {  	v5 =	vperm.xlane v5, v2;
	v6 =	vadd.s32 v1, v6;
	_ =	sdelay $0x1  }
0xdb: {  	v5 =	vadd.s32 v1, v5;
	_ =	sdelay $0x1  }
0xdc: {  	s24 =	simm.s32 $0x8100  }
0xdd: {  	[tilespmem:s24], [sflag:$0x1] =	stream.indirect_vreg.gather [hbm4b:s1+s4], $0x80, v6, vm0, $0xb8;
	[tilespmem:$0x10780] =	vst v63  }
0xde: {  	s24 =	simm.s32 $0x8900  }
0xdf: {  	[tilespmem:s24], [sflag:$0x1] =	stream.indirect_vreg.gather [hbm4b:s1+s4], $0x80, v5, vm0, $0xb8;
	[tilespmem:$0x10780] =	vst v63  }
0xe0: {  	v5 =	vld [tilespmem:$0x90];
	_ =	sdelay $0x4  }
0xe1: {  	v6 =	vshll.u32 v5, $0x1  }
0xe2: {  	v5 =	vand.u32 $0x7, v5;
	v6 =	vand.u32 $0xFFFFFFF0, v6  }
0xe3: {  	v5 =	vor.u32 v5, v6  }
0xe4: {  	v6 =	vperm.xlane v5, v0;
	_ =	sdelay $0x1  }
0xe5: {  	v5 =	vperm.xlane v5, v2;
	v6 =	vadd.s32 v1, v6;
	_ =	sdelay $0x1  }
0xe6: {  	v5 =	vadd.s32 v1, v5;
	_ =	sdelay $0x1  }
0xe7: {  	s24 =	simm.s32 $0x9100  }
0xe8: {  	[tilespmem:s24], [sflag:$0x1] =	stream.indirect_vreg.gather [hbm4b:s1+s4], $0x80, v6, vm0, $0xb8;
	[tilespmem:$0x10780] =	vst v63  }
0xe9: {  	s24 =	simm.s32 $0x9900  }
0xea: {  	[tilespmem:s24], [sflag:$0x1] =	stream.indirect_vreg.gather [hbm4b:s1+s4], $0x80, v5, vm0, $0xb8;
	[tilespmem:$0x10780] =	vst v63  }
0xeb: {  	v5 =	vld [tilespmem:$0xA0];
	_ =	sdelay $0x4  }
0xec: {  	v6 =	vshll.u32 v5, $0x1  }
0xed: {  	v5 =	vand.u32 $0x7, v5;
	v6 =	vand.u32 $0xFFFFFFF0, v6  }
0xee: {  	v5 =	vor.u32 v5, v6  }
0xef: {  	v6 =	vperm.xlane v5, v0;
	_ =	sdelay $0x1  }
0xf0: {  	v5 =	vperm.xlane v5, v2;
	v6 =	vadd.s32 v1, v6;
	_ =	sdelay $0x1  }
0xf1: {  	v5 =	vadd.s32 v1, v5;
	_ =	sdelay $0x1  }
0xf2: {  	s24 =	simm.s32 $0xA100  }
0xf3: {  	[tilespmem:s24], [sflag:$0x1] =	stream.indirect_vreg.gather [hbm4b:s1+s4], $0x80, v6, vm0, $0xb8;
	[tilespmem:$0x10780] =	vst v63  }
0xf4: {  	s24 =	simm.s32 $0xA900  }
0xf5: {  	[tilespmem:s24], [sflag:$0x1] =	stream.indirect_vreg.gather [hbm4b:s1+s4], $0x80, v5, vm0, $0xb8;
	[tilespmem:$0x10780] =	vst v63  }
0xf6: {  	v5 =	vld [tilespmem:$0xB0];
	_ =	sdelay $0x4  }
0xf7: {  	v6 =	vshll.u32 v5, $0x1  }
0xf8: {  	v5 =	vand.u32 $0x7, v5;
	v6 =	vand.u32 $0xFFFFFFF0, v6  }
0xf9: {  	v5 =	vor.u32 v5, v6  }
0xfa: {  	v6 =	vperm.xlane v5, v0;
	_ =	sdelay $0x1  }
0xfb: {  	v5 =	vperm.xlane v5, v2;
	v6 =	vadd.s32 v1, v6;
	_ =	sdelay $0x1  }
0xfc: {  	v5 =	vadd.s32 v1, v5;
	_ =	sdelay $0x1  }
0xfd: {  	s24 =	simm.s32 $0xB100  }
0xfe: {  	[tilespmem:s24], [sflag:$0x1] =	stream.indirect_vreg.gather [hbm4b:s1+s4], $0x80, v6, vm0, $0xb8;
	[tilespmem:$0x10780] =	vst v63  }
0xff: {  	s24 =	simm.s32 $0xB900  }
0x100: {  	[tilespmem:s24], [sflag:$0x1] =	stream.indirect_vreg.gather [hbm4b:s1+s4], $0x80, v5, vm0, $0xb8;
	[tilespmem:$0x10780] =	vst v63  }
0x101: {  	v5 =	vld [tilespmem:$0xC0];
	_ =	sdelay $0x4  }
0x102: {  	v6 =	vshll.u32 v5, $0x1  }
0x103: {  	v5 =	vand.u32 $0x7, v5;
	v6 =	vand.u32 $0xFFFFFFF0, v6  }
0x104: {  	v5 =	vor.u32 v5, v6  }
0x105: {  	v6 =	vperm.xlane v5, v0;
	_ =	sdelay $0x1  }
0x106: {  	v5 =	vperm.xlane v5, v2;
	v6 =	vadd.s32 v1, v6;
	_ =	sdelay $0x1  }
0x107: {  	v5 =	vadd.s32 v1, v5;
	_ =	sdelay $0x1  }
0x108: {  	s24 =	simm.s32 $0xC100  }
0x109: {  	[tilespmem:s24], [sflag:$0x1] =	stream.indirect_vreg.gather [hbm4b:s1+s4], $0x80, v6, vm0, $0xb8;
	[tilespmem:$0x10780] =	vst v63  }
0x10a: {  	_ = 	snop  }
0x10b: {  	[tilespmem:s25], [sflag:$0x1] =	stream.indirect_vreg.gather [hbm4b:s1+s4], $0x80, v5, vm0, $0xb8;
	[tilespmem:$0x10780] =	vst v63  }
0x10c: {  	v5 =	vld [tilespmem:$0xD0];
	_ =	sdelay $0x4  }
0x10d: {  	v6 =	vshll.u32 v5, $0x1  }
0x10e: {  	v5 =	vand.u32 $0x7, v5;
	v6 =	vand.u32 $0xFFFFFFF0, v6  }
0x10f: {  	v5 =	vor.u32 v5, v6  }
0x110: {  	v6 =	vperm.xlane v5, v0;
	_ =	sdelay $0x1  }
0x111: {  	v5 =	vperm.xlane v5, v2;
	v6 =	vadd.s32 v1, v6;
	_ =	sdelay $0x1  }
0x112: {  	v5 =	vadd.s32 v1, v5;
	_ =	sdelay $0x2  }
0x113: {  	[tilespmem:s26], [sflag:$0x1] =	stream.indirect_vreg.gather [hbm4b:s1+s4], $0x80, v6, vm0, $0xb8;
	[tilespmem:$0x10780] =	vst v63  }
0x114: {  	_ = 	snop  }
0x115: {  	[tilespmem:s28], [sflag:$0x1] =	stream.indirect_vreg.gather [hbm4b:s1+s4], $0x80, v5, vm0, $0xb8;
	[tilespmem:$0x10780] =	vst v63  }
0x116: {  	v5 =	vld [tilespmem:$0xE0];
	_ =	sdelay $0x4  }
0x117: {  	v6 =	vshll.u32 v5, $0x1  }
0x118: {  	v5 =	vand.u32 $0x7, v5;
	v6 =	vand.u32 $0xFFFFFFF0, v6  }
0x119: {  	v5 =	vor.u32 v5, v6  }
0x11a: {  	v6 =	vperm.xlane v5, v0;
	_ =	sdelay $0x1  }
0x11b: {  	v5 =	vperm.xlane v5, v2;
	v6 =	vadd.s32 v1, v6;
	_ =	sdelay $0x1  }
0x11c: {  	v5 =	vadd.s32 v1, v5;
	_ =	sdelay $0x2  }
0x11d: {  	[tilespmem:s29], [sflag:$0x1] =	stream.indirect_vreg.gather [hbm4b:s1+s4], $0x80, v6, vm0, $0xb8;
	[tilespmem:$0x10780] =	vst v63  }
0x11e: {  	_ = 	snop  }
0x11f: {  	[tilespmem:s30], [sflag:$0x1] =	stream.indirect_vreg.gather [hbm4b:s1+s4], $0x80, v5, vm0, $0xb8;
	[tilespmem:$0x10780] =	vst v63  }
0x120: {  	v5 =	vld [tilespmem:$0xF0];
	_ =	sdelay $0x4  }
0x121: {  	v6 =	vshll.u32 v5, $0x1  }
0x122: {  	v5 =	vand.u32 $0x7, v5;
	v6 =	vand.u32 $0xFFFFFFF0, v6  }
0x123: {  	v5 =	vor.u32 v5, v6  }
0x124: {  	v6 =	vperm.xlane v5, v0;
	_ =	sdelay $0x1  }
0x125: {  	v5 =	vperm.xlane v5, v2;
	v6 =	vadd.s32 v1, v6;
	_ =	sdelay $0x1  }
0x126: {  	v5 =	vadd.s32 v1, v5  }
.Ltmp2:
0x127: {  	_ = 	snop;
	(pc) =	sbr.rel @p0 .LBB2_3-.Ltmp2, $4  }
0x128: {  	_ = 	snop  }
0x129: {  	[tilespmem:s31], [sflag:$0x1] =	stream.indirect_vreg.gather [hbm4b:s1+s4], $0x80, v6, vm0, $0xb8;
	[tilespmem:$0x10780] =	vst v63  }
0x12a: {  	_ = 	snop  }
0x12b: {  	[tilespmem:s0], [sflag:$0x1] =	stream.indirect_vreg.gather [hbm4b:s1+s4], $0x80, v5, vm0, $0xb8;
	[tilespmem:$0x10780] =	vst v63  }
.Ltmp3:
0x12c: {  	(pc) =	sbr.rel .LBB2_4-.Ltmp3, $3  }
0x12d: {  	_ = 	snop  }
0x12e: {  	[bflag:$0x0] =	sbarrier.arrive $0xFFFF  }
0x12f: {  	[bflag:$0x0] =	sbarrier.arrive $0xFFFF;
	_ =	sdelay $0x1  }
.LBB2_5:
0x130: {  	_ =	sfence.sel $0x180000  }
0x131: {  	[bflag:$0x0] =	sbarrier.arrive $0xFFFF  }
0x132: {  	_ =	strace $0x90000047  }
0x133: {  	s0 =	stileid.u32;
	[bflag:$0x2] =	sbarrier.arrive $0xFFFF  }
0x134: {  	p0 =	sne.s32 s0, $0x0;
	s0 =	rddreg [dreg:$0x5]  }
0x135: {  	s0 =	sadd.s32 @!p0 $0x100000, s0  }
0x136: {  	[sflag:s0] =	ssyncadd.tile.s32 @!p0 $0x1;
	_ =	shalt  }
.Lfunc_end2:
_tile_overlayer_lowered:
.L_overlay_start_2:
0x137: {  	(tag) =	ssettag $0x2  }
0x138: {  	s0 =	rddreg [dreg:$0x0];
	s2 =	stileid.u32  }
0x139: {  	s1 =	rddreg [dreg:$0x1];
	p0 =	sne.s32 s2, $0x0  }
0x13a: {  	s3 =	rddreg [dreg:$0x2];
	[bflag:$0x3] =	sbarrier.arrive $0xFFFF;
	s2 =	simm.s32 @!p0 $0x1C03  }
0x13b: {  	[timem:s3], [sflag:s2] =	dma.local @!p0 [hbm:s0], s1  }
0x13c: {  	s0 =	simm.s32 @!p0 $0x3  }
0x13d: {  	_ =	swait.ge @!p0 [sflag:s0], s1  }
0x13e: {  	s1 =	ssub.s32 @!p0 $0x0, s1;
	[sflag:s0] =	ssyncset.done @!p0 $0x0  }
0x13f: {  	[sflag:s0] =	ssyncadd.s32 @!p0 s1  }
0x140: {  	[bflag:$0x3] =	sbarrier.arrive $0xFFFF  }
0x141: {  	_ =	shalt  }

</sc_bundles>
